<compile_context>
chip_gen: v7x
topology: tpu7x:2x2x1
jax: 0.10.2.dev20260603
libtpu: 0.0.44.dev20260713+nightly
codegen_flags: <defaults>
</compile_context>

<pallas_src>
import functools

import jax
import jax.numpy as jnp
import numpy as np
from jax import lax
from jax.experimental import pallas as pl
from jax.experimental.pallas import tpu as pltpu
from jax.experimental.pallas import tpu_sc as plsc

_IMG = 1920.0
_UPPER = 0.4
_LOWER = 0.1
_BG_RATIO = 1.0
_SIGMA2 = 100.0
_H = _W = 60
_NG = 100
_N = 32400
_R = 256
_C = 128
_NP = _R * _C
_NWORKERS = 32
_CHUNK = _NP // _NWORKERS


def _gen_anchors(feat_stride, feat_size, ratios, scales):
    ratios = jnp.asarray(ratios, jnp.float32)
    scales = jnp.asarray(scales, jnp.float32)
    area = (scales[None, :] * float(feat_stride)) ** 2
    ws = jnp.sqrt(area / ratios[:, None]).reshape(-1)
    hs = (jnp.sqrt(area / ratios[:, None]) * ratios[:, None]).reshape(-1)
    ctr = (jnp.arange(feat_size, dtype=jnp.float32) + 0.5) * float(feat_stride)
    K = ws.shape[0]
    H = W = feat_size
    cx = jnp.broadcast_to(ctr[None, :, None], (H, W, K))
    cy = jnp.broadcast_to(ctr[:, None, None], (H, W, K))
    x1 = cx - ws / 2.0
    y1 = cy - hs / 2.0
    x2 = cx + ws / 2.0
    y2 = cy + hs / 2.0
    return jnp.stack([x1, y1, x2, y2], axis=-1)


def _layout(x, H, W):
    v = x.reshape(1, -1, 4, H, W)
    v = jnp.transpose(v, (0, 3, 4, 1, 2))
    return v.reshape(-1, 4)


def _match_body(a0, a1, a2, a3, d0, d1, d2, d3, cs_ref, gt_ref,
                npos_ref, nneg_ref, possum_ref, bbox_ref,
                negelem_ref, ranks_ref):
    ax1 = jnp.clip(a0[...] + d0[...], 0.0, _IMG)
    ay1 = jnp.clip(a1[...] + d1[...], 0.0, _IMG)
    ax2 = jnp.clip(a2[...] + d2[...], 0.0, _IMG)
    ay2 = jnp.clip(a3[...] + d3[...], 0.0, _IMG)
    area_a = jnp.maximum(ax2 - ax1, 0.0) * jnp.maximum(ay2 - ay1, 0.0)

    iotar = lax.broadcasted_iota(jnp.int32, (_R, _C), 0)
    iotal = lax.broadcasted_iota(jnp.int32, (_R, _C), 1)
    flatidx = iotar * _C + iotal
    rowvalid = flatidx < _N
    bigi = jnp.int32(2 ** 30)

    def body(j, carry):
        best, idxp, scat = carry
        bx1 = gt_ref[j, 0]
        by1 = gt_ref[j, 1]
        bx2 = gt_ref[j, 2]
        by2 = gt_ref[j, 3]
        iw = jnp.maximum(jnp.minimum(ax2, bx2) - jnp.maximum(ax1, bx1), 0.0)
        ih = jnp.maximum(jnp.minimum(ay2, by2) - jnp.maximum(ay1, by1), 0.0)
        inter = iw * ih
        area_b = jnp.maximum(bx2 - bx1, 0.0) * jnp.maximum(by2 - by1, 0.0)
        union = area_a + area_b - inter
        iou = inter / jnp.maximum(union, 1e-6)
        iou = jnp.where(rowvalid, iou, -1.0)
        idxp = jnp.where(iou > best, j, idxp)
        best = jnp.maximum(best, iou)
        cmax = jnp.max(iou)
        cfirst = jnp.min(jnp.where(iou == cmax, flatidx, bigi))
        scat = jnp.where(flatidx == cfirst, j, scat)
        return best, idxp, scat

    best0 = jnp.full((_R, _C), -1e30, jnp.float32)
    idx0 = jnp.zeros((_R, _C), jnp.int32)
    scat0 = jnp.full((_R, _C), -1, jnp.int32)
    best, idxp, scat = lax.fori_loop(0, _NG, body, (best0, idx0, scat0))

    matches = jnp.full((_R, _C), -1, jnp.int32)
    matches = jnp.where(best >= _UPPER, idxp, matches)
    matches = jnp.where(scat >= 0, scat, matches)
    matches = jnp.where(best < _LOWER, -2, matches)

    pos = (matches >= 0) & rowvalid
    neg = (matches == -2) & rowvalid
    posf = jnp.where(pos, 1.0, 0.0).astype(jnp.float32)
    negf = jnp.where(neg, 1.0, 0.0).astype(jnp.float32)
    npos_ref[0, 0] = jnp.sum(posf)
    nneg_ref[0, 0] = jnp.sum(negf)

    x = cs_ref[...]
    lse = jnp.log1p(jnp.exp(-jnp.abs(x)))
    possum_ref[0, 0] = jnp.sum(
        jnp.where(pos, jnp.maximum(x, 0.0) - x + lse, 0.0))
    negelem_ref[...] = jnp.where(neg, jnp.maximum(x, 0.0) + lse, 0.0)

    tri_l = (lax.broadcasted_iota(jnp.int32, (_C, _C), 0)
             <= lax.broadcasted_iota(jnp.int32, (_C, _C), 1)).astype(jnp.float32)
    lane_pref = jnp.dot(negf, tri_l, preferred_element_type=jnp.float32)
    tot = lane_pref[:, _C - 1:_C]
    tri_r = (lax.broadcasted_iota(jnp.int32, (_R, _R), 0)
             > lax.broadcasted_iota(jnp.int32, (_R, _R), 1)).astype(jnp.float32)
    row_excl = jnp.dot(tri_r, jnp.broadcast_to(tot, (_R, _C)),
                       preferred_element_type=jnp.float32)
    incl = lane_pref + row_excl
    ranks_ref[...] = jnp.maximum(incl - 1.0, 0.0).astype(jnp.int32)

    def body2(j, carry):
        gx1, gy1, gx2, gy2 = carry
        sel = matches == j
        gx1 = jnp.where(sel, gt_ref[j, 0], gx1)
        gy1 = jnp.where(sel, gt_ref[j, 1], gy1)
        gx2 = jnp.where(sel, gt_ref[j, 2], gx2)
        gy2 = jnp.where(sel, gt_ref[j, 3], gy2)
        return gx1, gy1, gx2, gy2

    z = jnp.zeros((_R, _C), jnp.float32)
    gx1, gy1, gx2, gy2 = lax.fori_loop(0, _NG, body2, (z, z, z, z))

    def sl1(d):
        ad = jnp.abs(d)
        return jnp.where(ad < 1.0 / _SIGMA2, 0.5 * _SIGMA2 * d * d,
                         ad - 0.5 / _SIGMA2)

    d1 = jnp.where(pos, ax1 - gx1, 0.0)
    d2 = jnp.where(pos, ay1 - gy1, 0.0)
    d3 = jnp.where(pos, ax2 - gx2, 0.0)
    d4 = jnp.where(pos, ay2 - gy2, 0.0)
    bbox_ref[0, 0] = jnp.sum(sl1(d1) + sl1(d2) + sl1(d3) + sl1(d4))


def _tc_match(a_planes, d_planes, cs_plane, gt):
    vspec = pl.BlockSpec(memory_space=pltpu.VMEM)
    sspec = pl.BlockSpec(memory_space=pltpu.SMEM)
    scal = jax.ShapeDtypeStruct((1, 1), jnp.float32)
    return pl.pallas_call(
        _match_body,
        in_specs=[vspec] * 9 + [sspec],
        out_specs=(sspec, sspec, sspec, sspec, vspec, vspec),
        out_shape=(scal, scal, scal, scal,
                   jax.ShapeDtypeStruct((_R, _C), jnp.float32),
                   jax.ShapeDtypeStruct((_R, _C), jnp.int32)),
    )(*a_planes, *d_planes, cs_plane, gt)


@functools.cache
def _sc_negsum_fn():
    @functools.partial(
        pl.kernel,
        out_type=jax.ShapeDtypeStruct((_NWORKERS, 16), jnp.float32),
        mesh=plsc.VectorSubcoreMesh(core_axis_name="c", subcore_axis_name="s"),
        compiler_params=pltpu.CompilerParams(needs_layout_passes=False),
        scratch_types=[
            pltpu.VMEM((_NP,), jnp.float32),
            pltpu.VMEM((_CHUNK,), jnp.float32),
            pltpu.VMEM((_CHUNK,), jnp.int32),
            pltpu.VMEM((16,), jnp.float32),
        ],
    )
    def _sc_negsum(negelem_hbm, ranks_hbm, sel_hbm, out_hbm,
                   sel_v, ne_v, rk_v, acc_v):
        wid = lax.axis_index("s") * 2 + lax.axis_index("c")
        base = wid * _CHUNK
        pltpu.sync_copy(sel_hbm, sel_v)
        pltpu.sync_copy(negelem_hbm.at[pl.ds(base, _CHUNK)], ne_v)
        pltpu.sync_copy(ranks_hbm.at[pl.ds(base, _CHUNK)], rk_v)

        acc = jnp.zeros((16,), jnp.float32)
        for i in range(_CHUNK // 16):
            idx = rk_v[pl.ds(i * 16, 16)]
            vals = plsc.load_gather(sel_v, [idx])
            ne = ne_v[pl.ds(i * 16, 16)]
            acc = acc + vals * ne
        acc_v[...] = acc
        pltpu.sync_copy(acc_v, out_hbm.at[wid])

    return _sc_negsum


def _tf_py(k1, k2, x1, x2):
    M = 0xFFFFFFFF

    def rotl(x, r):
        return ((x << r) & M) | (x >> (32 - r))

    ks2 = k1 ^ k2 ^ 0x1BD11BDA
    v0, v1 = (x1 + k1) & M, (x2 + k2) & M
    R = ((13, 15, 26, 6), (17, 29, 16, 24))
    sched = ((R[0], k2, ks2, 1), (R[1], ks2, k1, 2), (R[0], k1, k2, 3),
             (R[1], k2, ks2, 4), (R[0], ks2, k1, 5))
    for rs, a0, a1, c in sched:
        for r in rs:
            v0 = (v0 + v1) & M
            v1 = rotl(v1, r) ^ v0
        v0 = (v0 + a0) & M
        v1 = (v1 + a1 + c) & M
    return v0, v1


def _split_py(k1, k2):
    return _tf_py(k1, k2, 0, 0), _tf_py(k1, k2, 0, 1)


_KEY0, _SUBKEY1 = _split_py(0, 1)
_KEY1, _SUBKEY2 = _split_py(*_KEY0)


def _tf_jnp(k1, k2, x1, x2):
    def rotl(x, r):
        return (x << np.uint32(r)) | (x >> np.uint32(32 - r))

    k1 = jnp.uint32(k1)
    k2 = jnp.uint32(k2)
    ks2 = k1 ^ k2 ^ jnp.uint32(0x1BD11BDA)
    v0 = x1 + k1
    v1 = x2 + k2
    R = ((13, 15, 26, 6), (17, 29, 16, 24))
    sched = ((R[0], k2, ks2, 1), (R[1], ks2, k1, 2), (R[0], k1, k2, 3),
             (R[1], k2, ks2, 4), (R[0], ks2, k1, 5))
    for rs, a0, a1, c in sched:
        for r in rs:
            v0 = v0 + v1
            v1 = rotl(v1, r) ^ v0
        v0 = v0 + a0
        v1 = v1 + a1 + jnp.uint32(c)
    return v0, v1


def _perm_bits(kpair):
    i = jnp.arange(_NP, dtype=jnp.uint32)
    y0, y1 = _tf_jnp(kpair[0], kpair[1], jnp.zeros((_NP,), jnp.uint32), i)
    return y0 ^ y1


def _stable_sort_kv(padflag, keys, vals):
    _, _, out = lax.sort((padflag, keys, vals), dimension=0, is_stable=True,
                         num_keys=2)
    return out


def _rank_selection(npos_f, nneg_f):
    n = nneg_f.astype(jnp.int32)
    iota = jnp.arange(_NP, dtype=jnp.int32)
    in_n = iota < n
    padflag = jnp.where(in_n, 0, 1).astype(jnp.uint32)
    bits1 = _perm_bits(_SUBKEY1)
    s1 = _stable_sort_kv(padflag, jnp.where(in_n, bits1, 0), iota)
    bits2 = _perm_bits(_SUBKEY2)
    s2 = _stable_sort_kv(padflag, jnp.where(in_n, bits2, 0), s1)
    perm = jnp.where(n <= 1, iota, jnp.where(n >= 1626, s2, s1))
    inv = _stable_sort_kv(padflag, jnp.where(in_n, perm, 0).astype(jnp.uint32),
                          iota)
    bg = jnp.round(npos_f * _BG_RATIO)
    n_samp = jnp.minimum(bg, nneg_f).astype(jnp.int32)
    return (in_n & (inv < n_samp)).astype(jnp.float32)


def kernel(cls_scores, bbox_deltas, gt_boxes, device):
    H, W = cls_scores.shape[2], cls_scores.shape[3]
    feat_stride = round(1920 / float(W))
    anchors = _gen_anchors(feat_stride, W, (0.5, 1.0, 2.0), (2.0, 4.0, 8.0))

    bd = jnp.transpose(bbox_deltas, (0, 2, 3, 1))[0]
    bd = bd.reshape(bd.shape[0], bd.shape[1], -1, 4)
    a_fin = _layout(anchors, H, W)
    d_fin = _layout(bd, H, W)
    cs_flat = jnp.transpose(cls_scores[0], (1, 2, 0)).reshape(-1)

    pad = _NP - _N
    a_fin = jnp.pad(a_fin, ((0, pad), (0, 0)))
    d_fin = jnp.pad(d_fin, ((0, pad), (0, 0)))
    cs_p = jnp.pad(cs_flat, (0, pad)).reshape(_R, _C)
    a_planes = [a_fin[:, c].reshape(_R, _C) for c in range(4)]
    d_planes = [d_fin[:, c].reshape(_R, _C) for c in range(4)]

    npos, nneg, possum, bboxsum, negelem, ranks = _tc_match(
        a_planes, d_planes, cs_p, gt_boxes[:, :4])
    npos = npos[0, 0]
    nneg = nneg[0, 0]

    sel = _rank_selection(npos, nneg)

    partials = _sc_negsum_fn()(negelem.reshape(_NP), ranks.reshape(_NP), sel)
    negsum = jnp.sum(partials)

    bg_num = jnp.round(npos * _BG_RATIO)
    n_samp = jnp.minimum(bg_num, nneg)
    cls_loss = (possum[0, 0] + negsum) / (npos + n_samp)
    bbox_loss = bboxsum[0, 0] / jnp.float32(_H)
    return (cls_loss, bbox_loss)

# --- scband reference (transcript-rebuilt; emitter-appended) ---
"""Pipeline reference for scband-anchor-target-layer-16011638079573 (READ-ONLY COPY).

The authoritative reference and input builder live on the scoring server;
editing this copy changes nothing except your own understanding.
"""

import jax, jax.numpy as jnp
import numpy as np

IMAGE_SIZE = 1920
RATIOS = (0.5, 1.0, 2.0)
SCALES = (2.0, 4.0, 8.0)
UPPER = 0.4
LOWER = 0.1
BG_RATIO = 1.0
SIGMA = 10.0


def generate_anchors(feat_stride, feat_size, ratios, scales):
    ratios = jnp.asarray(ratios, jnp.float32)
    scales = jnp.asarray(scales, jnp.float32)
    area = (scales[None, :] * float(feat_stride)) ** 2
    ws = jnp.sqrt(area / ratios[:, None]).reshape(-1)
    hs = (jnp.sqrt(area / ratios[:, None]) * ratios[:, None]).reshape(-1)
    ctr = (jnp.arange(feat_size, dtype=jnp.float32) + 0.5) * float(feat_stride)
    K = ws.shape[0]
    H = W = feat_size
    cx = jnp.broadcast_to(ctr[None, :, None], (H, W, K))
    cy = jnp.broadcast_to(ctr[:, None, None], (H, W, K))
    x1 = cx - ws / 2.0
    y1 = cy - hs / 2.0
    x2 = cx + ws / 2.0
    y2 = cy + hs / 2.0
    return jnp.stack([x1, y1, x2, y2], axis=-1)


def bbox_overlaps(a, b):
    ix1 = jnp.maximum(a[:, None, 0], b[None, :, 0])
    iy1 = jnp.maximum(a[:, None, 1], b[None, :, 1])
    ix2 = jnp.minimum(a[:, None, 2], b[None, :, 2])
    iy2 = jnp.minimum(a[:, None, 3], b[None, :, 3])
    iw = jnp.maximum(ix2 - ix1, 0.0)
    ih = jnp.maximum(iy2 - iy1, 0.0)
    inter = iw * ih
    area_a = jnp.maximum(a[:, 2] - a[:, 0], 0.0) * jnp.maximum(a[:, 3] - a[:, 1], 0.0)
    area_b = jnp.maximum(b[:, 2] - b[:, 0], 0.0) * jnp.maximum(b[:, 3] - b[:, 1], 0.0)
    union = area_a[:, None] + area_b[None, :] - inter
    return inter / jnp.maximum(union, 1e-6)


def match(regions, gt_boxes, upper, lower):
    overlaps = bbox_overlaps(regions, gt_boxes)
    best_pred = jnp.max(overlaps, axis=1)
    idx_pred = jnp.argmax(overlaps, axis=1)
    ret = -1.0 * jnp.ones((regions.shape[0],), jnp.float32)
    ret = jnp.where(best_pred >= upper, idx_pred.astype(jnp.float32), ret)
    idx_gt = jnp.argmax(overlaps, axis=0)
    ret = ret.at[idx_gt].set(jnp.arange(gt_boxes.shape[0], dtype=jnp.float32))
    ret = jnp.where(best_pred < lower, -2.0, ret)
    return ret


def bce_with_logits_mean(x, y):
    return jnp.mean(jnp.maximum(x, 0.0) - x * y + jnp.log1p(jnp.exp(-jnp.abs(x))))


def smooth_l1(pred, gt, norm, sigma=SIGMA):
    sigma2 = sigma * sigma
    d = pred - gt
    ad = jnp.abs(d)
    loss = jnp.where(ad < 1.0 / sigma2, 0.5 * sigma2 * d * d, ad - 0.5 / sigma2)
    return jnp.sum(loss) / norm


def _regions_and_flat(cls_scores, bbox_deltas, anchors, H, W, batch):
    cs = jnp.transpose(cls_scores[0], (1, 2, 0))
    bd = jnp.transpose(bbox_deltas, (0, 2, 3, 1))[0]
    bd = bd.reshape(bd.shape[0], bd.shape[1], -1, 4)
    regions = anchors + bd
    regions = jnp.clip(regions, 0.0, float(IMAGE_SIZE))
    regions = regions.reshape(batch, -1, 4, H, W)
    regions = jnp.transpose(regions, (0, 3, 4, 1, 2))
    regions = regions.reshape(batch, -1, 4)
    return regions, cs.reshape(-1)


def setup_inputs(seed: int = 0):
    key = jax.random.key(seed)
    k1, k2, k3, k4 = jax.random.split(key, 4)
    cls_scores = jax.random.normal(k1, (1, 9, 60, 60), dtype=jnp.float32)
    bbox_deltas = jax.random.normal(k2, (1, 36, 60, 60), dtype=jnp.float32) * 8.0
    cxy = jax.random.uniform(k3, (100, 2), minval=200.0, maxval=1720.0)
    wh = jax.random.uniform(k4, (100, 2), minval=150.0, maxval=600.0)
    x1y1 = jnp.clip(cxy - wh / 2.0, 0.0, 1920.0)
    x2y2 = jnp.clip(cxy + wh / 2.0, 0.0, 1920.0)
    gt_boxes = jnp.concatenate([x1y1, x2y2], axis=1).astype(jnp.float32)
    device = jnp.zeros((1,), jnp.float32)
    return {"cls_scores": cls_scores, "bbox_deltas": bbox_deltas, "gt_boxes": gt_boxes, "device": device}


def reference(cls_scores, bbox_deltas, gt_boxes, device):
    H, W = cls_scores.shape[2], cls_scores.shape[3]
    batch = cls_scores.shape[0]
    feat_stride = round(IMAGE_SIZE / float(W))
    anchors = generate_anchors(feat_stride, W, RATIOS, SCALES)
    regions, cs_flat = _regions_and_flat(cls_scores, bbox_deltas, anchors, H, W, batch)
    matches = match(regions[0], gt_boxes[:, :4], UPPER, LOWER)
    N = matches.shape[0]
    pos_mask = matches >= 0.0
    neg_mask = matches == -2.0
    n_pos = jnp.sum(pos_mask).astype(jnp.int32)
    n_neg = jnp.sum(neg_mask).astype(jnp.int32)
    pos_inds = jnp.nonzero(pos_mask, size=N, fill_value=0)[0]
    neg_inds = jnp.nonzero(neg_mask, size=N, fill_value=0)[0]
    bg_num = jnp.round(n_pos.astype(jnp.float32) * BG_RATIO).astype(jnp.int32)

    def _host_perm(n):
        n = int(n)
        p = np.asarray(jax.random.permutation(jax.random.key(1), n), dtype=np.int32)
        out = np.zeros((N,), np.int32)
        out[:n] = p
        return out

    perm = jax.pure_callback(_host_perm, jax.ShapeDtypeStruct((N,), jnp.int32), n_neg)
    n_samp = jnp.minimum(bg_num, n_neg)
    sample_neg = neg_inds[perm]
    pos_sel = jnp.arange(N) < n_pos
    samp_sel = jnp.arange(N) < n_samp
    gt_cls = jnp.concatenate([jnp.ones((N,), jnp.float32), jnp.zeros((N,), jnp.float32)])
    pred_cls = jnp.concatenate([cs_flat[pos_inds], cs_flat[sample_neg]])
    sel = jnp.concatenate([pos_sel, samp_sel]).astype(jnp.float32)
    elem = jnp.maximum(pred_cls, 0.0) - pred_cls * gt_cls + jnp.log1p(jnp.exp(-jnp.abs(pred_cls)))
    cls_loss = jnp.sum(elem * sel) / (n_pos + n_samp).astype(jnp.float32)
    gt_indxs = matches[pos_inds].astype(jnp.int32)
    sample_gt = gt_boxes[gt_indxs, :]
    sample_pred = regions[0][pos_inds, :]
    sample_pred = jnp.where(pos_sel[:, None], sample_pred, sample_gt)
    norm = jnp.float32(anchors.shape[0])
    bbox_loss = smooth_l1(sample_pred, sample_gt, norm)
    return (cls_loss, bbox_loss)

if __name__ == "__main__":
    import jax
    _d = setup_inputs()
    print(jax.jit(kernel)(*tuple(_d.values())))

</pallas_src>

<mosaic_0001>
#map = affine_map<(d0, d1) -> (0)>
#map1 = affine_map<(d0, d1) -> (0, 0)>
module attributes {stable_mosaic.version = 14 : i64} {
  func.func @_sc_negsum(%arg0: i32, %arg1: i32, %arg2: memref<32768xf32, #tpu.memory_space<hbm>>, %arg3: memref<32768xi32, #tpu.memory_space<hbm>>, %arg4: memref<32768xf32, #tpu.memory_space<hbm>>, %arg5: memref<32x16xf32, #tpu.memory_space<hbm>>, %arg6: memref<32768xf32, #tpu.memory_space<vmem>>, %arg7: memref<1024xf32, #tpu.memory_space<vmem>>, %arg8: memref<1024xi32, #tpu.memory_space<vmem>>, %arg9: memref<16xf32, #tpu.memory_space<vmem>>) attributes {dimension_semantics = [#tpu.dimension_semantics<core_parallel>, #tpu.dimension_semantics<subcore_parallel>], iteration_bounds = array<i64: 2, 16>, scalar_prefetch = 0 : i64, scratch_operands = 4 : i64, tpu.core_type = #tpu.core_type<sc_vector_subcore>, window_params = [{transform_indices = #map}, {transform_indices = #map}, {transform_indices = #map}, {transform_indices = #map1}]} {
    %mul3A = arith.constant 2 : i32
    %mul3A_0 = arith.muli %arg1, %mul3A : i32
    %add3A = arith.addi %mul3A_0, %arg0 : i32
    %mul3A_1 = arith.constant 1024 : i32
    %mul3A_2 = arith.muli %add3A, %mul3A_1 : i32
    "tpu.region"() ({
      %run_scoped3A = tpu.sem_alloc : memref<!tpu.dma_semaphore, #tpu.memory_space<semaphore_mem>>
      tpu.enqueue_dma source(%arg4 : memref<32768xf32, #tpu.memory_space<hbm>>) target(%arg6 : memref<32768xf32, #tpu.memory_space<vmem>>) target_semaphore(%run_scoped3A : memref<!tpu.dma_semaphore, #tpu.memory_space<semaphore_mem>>)
      tpu.wait_dma2 semaphore(%run_scoped3A : memref<!tpu.dma_semaphore, #tpu.memory_space<semaphore_mem>>) src(%arg4 : memref<32768xf32, #tpu.memory_space<hbm>>) dst(%arg6 : memref<32768xf32, #tpu.memory_space<vmem>>)
      tpu.yield
    }) : () -> ()
    "tpu.region"() ({
      %run_scoped3A = tpu.sem_alloc : memref<!tpu.dma_semaphore, #tpu.memory_space<semaphore_mem>>
      %dma_start3A = tpu.memref_slice %arg2[%mul3A_2] : memref<32768xf32, #tpu.memory_space<hbm>> -> memref<1024xf32, #tpu.memory_space<hbm>>
      %dma_start3A_451 = tpu.memref_slice %arg2[%mul3A_2] : memref<32768xf32, #tpu.memory_space<hbm>> -> memref<1024xf32, #tpu.memory_space<hbm>>
      tpu.enqueue_dma source(%dma_start3A_451 : memref<1024xf32, #tpu.memory_space<hbm>>) target(%arg7 : memref<1024xf32, #tpu.memory_space<vmem>>) target_semaphore(%run_scoped3A : memref<!tpu.dma_semaphore, #tpu.memory_space<semaphore_mem>>)
      %dma_wait3A = tpu.memref_slice %arg2[%mul3A_2] : memref<32768xf32, #tpu.memory_space<hbm>> -> memref<1024xf32, #tpu.memory_space<hbm>>
      %dma_wait3A_452 = tpu.memref_slice %arg2[%mul3A_2] : memref<32768xf32, #tpu.memory_space<hbm>> -> memref<1024xf32, #tpu.memory_space<hbm>>
      tpu.wait_dma2 semaphore(%run_scoped3A : memref<!tpu.dma_semaphore, #tpu.memory_space<semaphore_mem>>) src(%dma_wait3A_452 : memref<1024xf32, #tpu.memory_space<hbm>>) dst(%arg7 : memref<1024xf32, #tpu.memory_space<vmem>>)
      tpu.yield
    }) : () -> ()
    "tpu.region"() ({
      %run_scoped3A = tpu.sem_alloc : memref<!tpu.dma_semaphore, #tpu.memory_space<semaphore_mem>>
      %dma_start3A = tpu.memref_slice %arg3[%mul3A_2] : memref<32768xi32, #tpu.memory_space<hbm>> -> memref<1024xi32, #tpu.memory_space<hbm>>
      %dma_start3A_451 = tpu.memref_slice %arg3[%mul3A_2] : memref<32768xi32, #tpu.memory_space<hbm>> -> memref<1024xi32, #tpu.memory_space<hbm>>
      tpu.enqueue_dma source(%dma_start3A_451 : memref<1024xi32, #tpu.memory_space<hbm>>) target(%arg8 : memref<1024xi32, #tpu.memory_space<vmem>>) target_semaphore(%run_scoped3A : memref<!tpu.dma_semaphore, #tpu.memory_space<semaphore_mem>>)
      %dma_wait3A = tpu.memref_slice %arg3[%mul3A_2] : memref<32768xi32, #tpu.memory_space<hbm>> -> memref<1024xi32, #tpu.memory_space<hbm>>
      %dma_wait3A_452 = tpu.memref_slice %arg3[%mul3A_2] : memref<32768xi32, #tpu.memory_space<hbm>> -> memref<1024xi32, #tpu.memory_space<hbm>>
      tpu.wait_dma2 semaphore(%run_scoped3A : memref<!tpu.dma_semaphore, #tpu.memory_space<semaphore_mem>>) src(%dma_wait3A_452 : memref<1024xi32, #tpu.memory_space<hbm>>) dst(%arg8 : memref<1024xi32, #tpu.memory_space<vmem>>)
      tpu.yield
    }) : () -> ()
    %broadcast_in_dim3A = arith.constant 0.000000e+00 : f32
    %broadcast_in_dim3A_3 = vector.broadcast %broadcast_in_dim3A : f32 to vector<16xf32>
    %get3A = arith.constant 0 : index
    %get3A_4 = tpu.vector_load %arg8[%get3A] {strides = array<i32>} : memref<1024xi32, #tpu.memory_space<vmem>>, vector<16xi32>,
    %gather3A = tpu.vector_load_idx %arg6[%get3A_4] : memref<32768xf32, #tpu.memory_space<vmem>>[vector<16xi32>], vector<16xf32>,
    %get3A_5 = arith.constant 0 : index
    %get3A_6 = tpu.vector_load %arg7[%get3A_5] {strides = array<i32>} : memref<1024xf32, #tpu.memory_space<vmem>>, vector<16xf32>,
    %mul3A_7 = arith.mulf %gather3A, %get3A_6 : vector<16xf32>
    %add3A_8 = arith.addf %broadcast_in_dim3A_3, %mul3A_7 : vector<16xf32>
    %get3A_9 = arith.constant 16 : index
    %get3A_10 = tpu.vector_load %arg8[%get3A_9] {strides = array<i32>} : memref<1024xi32, #tpu.memory_space<vmem>>, vector<16xi32>,
    %gather3A_11 = tpu.vector_load_idx %arg6[%get3A_10] : memref<32768xf32, #tpu.memory_space<vmem>>[vector<16xi32>], vector<16xf32>,
    %get3A_12 = arith.constant 16 : index
    %get3A_13 = tpu.vector_load %arg7[%get3A_12] {strides = array<i32>} : memref<1024xf32, #tpu.memory_space<vmem>>, vector<16xf32>,
    %mul3A_14 = arith.mulf %gather3A_11, %get3A_13 : vector<16xf32>
    %add3A_15 = arith.addf %add3A_8, %mul3A_14 : vector<16xf32>
    %get3A_16 = arith.constant 32 : index
    %get3A_17 = tpu.vector_load %arg8[%get3A_16] {strides = array<i32>} : memref<1024xi32, #tpu.memory_space<vmem>>, vector<16xi32>,
    %gather3A_18 = tpu.vector_load_idx %arg6[%get3A_17] : memref<32768xf32, #tpu.memory_space<vmem>>[vector<16xi32>], vector<16xf32>,
    %get3A_19 = arith.constant 32 : index
    %get3A_20 = tpu.vector_load %arg7[%get3A_19] {strides = array<i32>} : memref<1024xf32, #tpu.memory_space<vmem>>, vector<16xf32>,
    %mul3A_21 = arith.mulf %gather3A_18, %get3A_20 : vector<16xf32>
    %add3A_22 = arith.addf %add3A_15, %mul3A_21 : vector<16xf32>
    %get3A_23 = arith.constant 48 : index
    %get3A_24 = tpu.vector_load %arg8[%get3A_23] {strides = array<i32>} : memref<1024xi32, #tpu.memory_space<vmem>>, vector<16xi32>,
    %gather3A_25 = tpu.vector_load_idx %arg6[%get3A_24] : memref<32768xf32, #tpu.memory_space<vmem>>[vector<16xi32>], vector<16xf32>,
    %get3A_26 = arith.constant 48 : index
    %get3A_27 = tpu.vector_load %arg7[%get3A_26] {strides = array<i32>} : memref<1024xf32, #tpu.memory_space<vmem>>, vector<16xf32>,
    %mul3A_28 = arith.mulf %gather3A_25, %get3A_27 : vector<16xf32>
    %add3A_29 = arith.addf %add3A_22, %mul3A_28 : vector<16xf32>
    %get3A_30 = arith.constant 64 : index
    %get3A_31 = tpu.vector_load %arg8[%get3A_30] {strides = array<i32>} : memref<1024xi32, #tpu.memory_space<vmem>>, vector<16xi32>,
    %gather3A_32 = tpu.vector_load_idx %arg6[%get3A_31] : memref<32768xf32, #tpu.memory_space<vmem>>[vector<16xi32>], vector<16xf32>,
    %get3A_33 = arith.constant 64 : index
    %get3A_34 = tpu.vector_load %arg7[%get3A_33] {strides = array<i32>} : memref<1024xf32, #tpu.memory_space<vmem>>, vector<16xf32>,
    %mul3A_35 = arith.mulf %gather3A_32, %get3A_34 : vector<16xf32>
    %add3A_36 = arith.addf %add3A_29, %mul3A_35 : vector<16xf32>
    %get3A_37 = arith.constant 80 : index
    %get3A_38 = tpu.vector_load %arg8[%get3A_37] {strides = array<i32>} : memref<1024xi32, #tpu.memory_space<vmem>>, vector<16xi32>,
    %gather3A_39 = tpu.vector_load_idx %arg6[%get3A_38] : memref<32768xf32, #tpu.memory_space<vmem>>[vector<16xi32>], vector<16xf32>,
    %get3A_40 = arith.constant 80 : index
    %get3A_41 = tpu.vector_load %arg7[%get3A_40] {strides = array<i32>} : memref<1024xf32, #tpu.memory_space<vmem>>, vector<16xf32>,
    %mul3A_42 = arith.mulf %gather3A_39, %get3A_41 : vector<16xf32>
    %add3A_43 = arith.addf %add3A_36, %mul3A_42 : vector<16xf32>
    %get3A_44 = arith.constant 96 : index
    %get3A_45 = tpu.vector_load %arg8[%get3A_44] {strides = array<i32>} : memref<1024xi32, #tpu.memory_space<vmem>>, vector<16xi32>,
    %gather3A_46 = tpu.vector_load_idx %arg6[%get3A_45] : memref<32768xf32, #tpu.memory_space<vmem>>[vector<16xi32>], vector<16xf32>,
    %get3A_47 = arith.constant 96 : index
    %get3A_48 = tpu.vector_load %arg7[%get3A_47] {strides = array<i32>} : memref<1024xf32, #tpu.memory_space<vmem>>, vector<16xf32>,
    %mul3A_49 = arith.mulf %gather3A_46, %get3A_48 : vector<16xf32>
    %add3A_50 = arith.addf %add3A_43, %mul3A_49 : vector<16xf32>
    %get3A_51 = arith.constant 112 : index
    %get3A_52 = tpu.vector_load %arg8[%get3A_51] {strides = array<i32>} : memref<1024xi32, #tpu.memory_space<vmem>>, vector<16xi32>,
    %gather3A_53 = tpu.vector_load_idx %arg6[%get3A_52] : memref<32768xf32, #tpu.memory_space<vmem>>[vector<16xi32>], vector<16xf32>,
    %get3A_54 = arith.constant 112 : index
    %get3A_55 = tpu.vector_load %arg7[%get3A_54] {strides = array<i32>} : memref<1024xf32, #tpu.memory_space<vmem>>, vector<16xf32>,
    %mul3A_56 = arith.mulf %gather3A_53, %get3A_55 : vector<16xf32>
    %add3A_57 = arith.addf %add3A_50, %mul3A_56 : vector<16xf32>
    %get3A_58 = arith.constant 128 : index
    %get3A_59 = tpu.vector_load %arg8[%get3A_58] {strides = array<i32>} : memref<1024xi32, #tpu.memory_space<vmem>>, vector<16xi32>,
    %gather3A_60 = tpu.vector_load_idx %arg6[%get3A_59] : memref<32768xf32, #tpu.memory_space<vmem>>[vector<16xi32>], vector<16xf32>,
    %get3A_61 = arith.constant 128 : index
    %get3A_62 = tpu.vector_load %arg7[%get3A_61] {strides = array<i32>} : memref<1024xf32, #tpu.memory_space<vmem>>, vector<16xf32>,
    %mul3A_63 = arith.mulf %gather3A_60, %get3A_62 : vector<16xf32>
    %add3A_64 = arith.addf %add3A_57, %mul3A_63 : vector<16xf32>
    %get3A_65 = arith.constant 144 : index
    %get3A_66 = tpu.vector_load %arg8[%get3A_65] {strides = array<i32>} : memref<1024xi32, #tpu.memory_space<vmem>>, vector<16xi32>,
    %gather3A_67 = tpu.vector_load_idx %arg6[%get3A_66] : memref<32768xf32, #tpu.memory_space<vmem>>[vector<16xi32>], vector<16xf32>,
    %get3A_68 = arith.constant 144 : index
    %get3A_69 = tpu.vector_load %arg7[%get3A_68] {strides = array<i32>} : memref<1024xf32, #tpu.memory_space<vmem>>, vector<16xf32>,
    %mul3A_70 = arith.mulf %gather3A_67, %get3A_69 : vector<16xf32>
    %add3A_71 = arith.addf %add3A_64, %mul3A_70 : vector<16xf32>
    %get3A_72 = arith.constant 160 : index
    %get3A_73 = tpu.vector_load %arg8[%get3A_72] {strides = array<i32>} : memref<1024xi32, #tpu.memory_space<vmem>>, vector<16xi32>,
    %gather3A_74 = tpu.vector_load_idx %arg6[%get3A_73] : memref<32768xf32, #tpu.memory_space<vmem>>[vector<16xi32>], vector<16xf32>,
    %get3A_75 = arith.constant 160 : index
    %get3A_76 = tpu.vector_load %arg7[%get3A_75] {strides = array<i32>} : memref<1024xf32, #tpu.memory_space<vmem>>, vector<16xf32>,
    %mul3A_77 = arith.mulf %gather3A_74, %get3A_76 : vector<16xf32>
    %add3A_78 = arith.addf %add3A_71, %mul3A_77 : vector<16xf32>
    %get3A_79 = arith.constant 176 : index
    %get3A_80 = tpu.vector_load %arg8[%get3A_79] {strides = array<i32>} : memref<1024xi32, #tpu.memory_space<vmem>>, vector<16xi32>,
    %gather3A_81 = tpu.vector_load_idx %arg6[%get3A_80] : memref<32768xf32, #tpu.memory_space<vmem>>[vector<16xi32>], vector<16xf32>,
    %get3A_82 = arith.constant 176 : index
    %get3A_83 = tpu.vector_load %arg7[%get3A_82] {strides = array<i32>} : memref<1024xf32, #tpu.memory_space<vmem>>, vector<16xf32>,
    %mul3A_84 = arith.mulf %gather3A_81, %get3A_83 : vector<16xf32>
    %add3A_85 = arith.addf %add3A_78, %mul3A_84 : vector<16xf32>
    %get3A_86 = arith.constant 192 : index
    %get3A_87 = tpu.vector_load %arg8[%get3A_86] {strides = array<i32>} : memref<1024xi32, #tpu.memory_space<vmem>>, vector<16xi32>,
    %gather3A_88 = tpu.vector_load_idx %arg6[%get3A_87] : memref<32768xf32, #tpu.memory_space<vmem>>[vector<16xi32>], vector<16xf32>,
    %get3A_89 = arith.constant 192 : index
    %get3A_90 = tpu.vector_load %arg7[%get3A_89] {strides = array<i32>} : memref<1024xf32, #tpu.memory_space<vmem>>, vector<16xf32>,
    %mul3A_91 = arith.mulf %gather3A_88, %get3A_90 : vector<16xf32>
    %add3A_92 = arith.addf %add3A_85, %mul3A_91 : vector<16xf32>
    %get3A_93 = arith.constant 208 : index
    %get3A_94 = tpu.vector_load %arg8[%get3A_93] {strides = array<i32>} : memref<1024xi32, #tpu.memory_space<vmem>>, vector<16xi32>,
    %gather3A_95 = tpu.vector_load_idx %arg6[%get3A_94] : memref<32768xf32, #tpu.memory_space<vmem>>[vector<16xi32>], vector<16xf32>,
    %get3A_96 = arith.constant 208 : index
    %get3A_97 = tpu.vector_load %arg7[%get3A_96] {strides = array<i32>} : memref<1024xf32, #tpu.memory_space<vmem>>, vector<16xf32>,
    %mul3A_98 = arith.mulf %gather3A_95, %get3A_97 : vector<16xf32>
    %add3A_99 = arith.addf %add3A_92, %mul3A_98 : vector<16xf32>
    %get3A_100 = arith.constant 224 : index
    %get3A_101 = tpu.vector_load %arg8[%get3A_100] {strides = array<i32>} : memref<1024xi32, #tpu.memory_space<vmem>>, vector<16xi32>,
    %gather3A_102 = tpu.vector_load_idx %arg6[%get3A_101] : memref<32768xf32, #tpu.memory_space<vmem>>[vector<16xi32>], vector<16xf32>,
    %get3A_103 = arith.constant 224 : index
    %get3A_104 = tpu.vector_load %arg7[%get3A_103] {strides = array<i32>} : memref<1024xf32, #tpu.memory_space<vmem>>, vector<16xf32>,
    %mul3A_105 = arith.mulf %gather3A_102, %get3A_104 : vector<16xf32>
    %add3A_106 = arith.addf %add3A_99, %mul3A_105 : vector<16xf32>
    %get3A_107 = arith.constant 240 : index
    %get3A_108 = tpu.vector_load %arg8[%get3A_107] {strides = array<i32>} : memref<1024xi32, #tpu.memory_space<vmem>>, vector<16xi32>,
    %gather3A_109 = tpu.vector_load_idx %arg6[%get3A_108] : memref<32768xf32, #tpu.memory_space<vmem>>[vector<16xi32>], vector<16xf32>,
    %get3A_110 = arith.constant 240 : index
    %get3A_111 = tpu.vector_load %arg7[%get3A_110] {strides = array<i32>} : memref<1024xf32, #tpu.memory_space<vmem>>, vector<16xf32>,
    %mul3A_112 = arith.mulf %gather3A_109, %get3A_111 : vector<16xf32>
    %add3A_113 = arith.addf %add3A_106, %mul3A_112 : vector<16xf32>
    %get3A_114 = arith.constant 256 : index
    %get3A_115 = tpu.vector_load %arg8[%get3A_114] {strides = array<i32>} : memref<1024xi32, #tpu.memory_space<vmem>>, vector<16xi32>,
    %gather3A_116 = tpu.vector_load_idx %arg6[%get3A_115] : memref<32768xf32, #tpu.memory_space<vmem>>[vector<16xi32>], vector<16xf32>,
    %get3A_117 = arith.constant 256 : index
    %get3A_118 = tpu.vector_load %arg7[%get3A_117] {strides = array<i32>} : memref<1024xf32, #tpu.memory_space<vmem>>, vector<16xf32>,
    %mul3A_119 = arith.mulf %gather3A_116, %get3A_118 : vector<16xf32>
    %add3A_120 = arith.addf %add3A_113, %mul3A_119 : vector<16xf32>
    %get3A_121 = arith.constant 272 : index
    %get3A_122 = tpu.vector_load %arg8[%get3A_121] {strides = array<i32>} : memref<1024xi32, #tpu.memory_space<vmem>>, vector<16xi32>,
    %gather3A_123 = tpu.vector_load_idx %arg6[%get3A_122] : memref<32768xf32, #tpu.memory_space<vmem>>[vector<16xi32>], vector<16xf32>,
    %get3A_124 = arith.constant 272 : index
    %get3A_125 = tpu.vector_load %arg7[%get3A_124] {strides = array<i32>} : memref<1024xf32, #tpu.memory_space<vmem>>, vector<16xf32>,
    %mul3A_126 = arith.mulf %gather3A_123, %get3A_125 : vector<16xf32>
    %add3A_127 = arith.addf %add3A_120, %mul3A_126 : vector<16xf32>
    %get3A_128 = arith.constant 288 : index
    %get3A_129 = tpu.vector_load %arg8[%get3A_128] {strides = array<i32>} : memref<1024xi32, #tpu.memory_space<vmem>>, vector<16xi32>,
    %gather3A_130 = tpu.vector_load_idx %arg6[%get3A_129] : memref<32768xf32, #tpu.memory_space<vmem>>[vector<16xi32>], vector<16xf32>,
    %get3A_131 = arith.constant 288 : index
    %get3A_132 = tpu.vector_load %arg7[%get3A_131] {strides = array<i32>} : memref<1024xf32, #tpu.memory_space<vmem>>, vector<16xf32>,
    %mul3A_133 = arith.mulf %gather3A_130, %get3A_132 : vector<16xf32>
    %add3A_134 = arith.addf %add3A_127, %mul3A_133 : vector<16xf32>
    %get3A_135 = arith.constant 304 : index
    %get3A_136 = tpu.vector_load %arg8[%get3A_135] {strides = array<i32>} : memref<1024xi32, #tpu.memory_space<vmem>>, vector<16xi32>,
    %gather3A_137 = tpu.vector_load_idx %arg6[%get3A_136] : memref<32768xf32, #tpu.memory_space<vmem>>[vector<16xi32>], vector<16xf32>,
    %get3A_138 = arith.constant 304 : index
    %get3A_139 = tpu.vector_load %arg7[%get3A_138] {strides = array<i32>} : memref<1024xf32, #tpu.memory_space<vmem>>, vector<16xf32>,
    %mul3A_140 = arith.mulf %gather3A_137, %get3A_139 : vector<16xf32>
    %add3A_141 = arith.addf %add3A_134, %mul3A_140 : vector<16xf32>
    %get3A_142 = arith.constant 320 : index
    %get3A_143 = tpu.vector_load %arg8[%get3A_142] {strides = array<i32>} : memref<1024xi32, #tpu.memory_space<vmem>>, vector<16xi32>,
    %gather3A_144 = tpu.vector_load_idx %arg6[%get3A_143] : memref<32768xf32, #tpu.memory_space<vmem>>[vector<16xi32>], vector<16xf32>,
    %get3A_145 = arith.constant 320 : index
    %get3A_146 = tpu.vector_load %arg7[%get3A_145] {strides = array<i32>} : memref<1024xf32, #tpu.memory_space<vmem>>, vector<16xf32>,
    %mul3A_147 = arith.mulf %gather3A_144, %get3A_146 : vector<16xf32>
    %add3A_148 = arith.addf %add3A_141, %mul3A_147 : vector<16xf32>
    %get3A_149 = arith.constant 336 : index
    %get3A_150 = tpu.vector_load %arg8[%get3A_149] {strides = array<i32>} : memref<1024xi32, #tpu.memory_space<vmem>>, vector<16xi32>,
    %gather3A_151 = tpu.vector_load_idx %arg6[%get3A_150] : memref<32768xf32, #tpu.memory_space<vmem>>[vector<16xi32>], vector<16xf32>,
    %get3A_152 = arith.constant 336 : index
    %get3A_153 = tpu.vector_load %arg7[%get3A_152] {strides = array<i32>} : memref<1024xf32, #tpu.memory_space<vmem>>, vector<16xf32>,
    %mul3A_154 = arith.mulf %gather3A_151, %get3A_153 : vector<16xf32>
    %add3A_155 = arith.addf %add3A_148, %mul3A_154 : vector<16xf32>
    %get3A_156 = arith.constant 352 : index
    %get3A_157 = tpu.vector_load %arg8[%get3A_156] {strides = array<i32>} : memref<1024xi32, #tpu.memory_space<vmem>>, vector<16xi32>,
    %gather3A_158 = tpu.vector_load_idx %arg6[%get3A_157] : memref<32768xf32, #tpu.memory_space<vmem>>[vector<16xi32>], vector<16xf32>,
    %get3A_159 = arith.constant 352 : index
    %get3A_160 = tpu.vector_load %arg7[%get3A_159] {strides = array<i32>} : memref<1024xf32, #tpu.memory_space<vmem>>, vector<16xf32>,
    %mul3A_161 = arith.mulf %gather3A_158, %get3A_160 : vector<16xf32>
    %add3A_162 = arith.addf %add3A_155, %mul3A_161 : vector<16xf32>
    %get3A_163 = arith.constant 368 : index
    %get3A_164 = tpu.vector_load %arg8[%get3A_163] {strides = array<i32>} : memref<1024xi32, #tpu.memory_space<vmem>>, vector<16xi32>,
    %gather3A_165 = tpu.vector_load_idx %arg6[%get3A_164] : memref<32768xf32, #tpu.memory_space<vmem>>[vector<16xi32>], vector<16xf32>,
    %get3A_166 = arith.constant 368 : index
    %get3A_167 = tpu.vector_load %arg7[%get3A_166] {strides = array<i32>} : memref<1024xf32, #tpu.memory_space<vmem>>, vector<16xf32>,
    %mul3A_168 = arith.mulf %gather3A_165, %get3A_167 : vector<16xf32>
    %add3A_169 = arith.addf %add3A_162, %mul3A_168 : vector<16xf32>
    %get3A_170 = arith.constant 384 : index
    %get3A_171 = tpu.vector_load %arg8[%get3A_170] {strides = array<i32>} : memref<1024xi32, #tpu.memory_space<vmem>>, vector<16xi32>,
    %gather3A_172 = tpu.vector_load_idx %arg6[%get3A_171] : memref<32768xf32, #tpu.memory_space<vmem>>[vector<16xi32>], vector<16xf32>,
    %get3A_173 = arith.constant 384 : index
    %get3A_174 = tpu.vector_load %arg7[%get3A_173] {strides = array<i32>} : memref<1024xf32, #tpu.memory_space<vmem>>, vector<16xf32>,
    %mul3A_175 = arith.mulf %gather3A_172, %get3A_174 : vector<16xf32>
    %add3A_176 = arith.addf %add3A_169, %mul3A_175 : vector<16xf32>
    %get3A_177 = arith.constant 400 : index
    %get3A_178 = tpu.vector_load %arg8[%get3A_177] {strides = array<i32>} : memref<1024xi32, #tpu.memory_space<vmem>>, vector<16xi32>,
    %gather3A_179 = tpu.vector_load_idx %arg6[%get3A_178] : memref<32768xf32, #tpu.memory_space<vmem>>[vector<16xi32>], vector<16xf32>,
    %get3A_180 = arith.constant 400 : index
    %get3A_181 = tpu.vector_load %arg7[%get3A_180] {strides = array<i32>} : memref<1024xf32, #tpu.memory_space<vmem>>, vector<16xf32>,
    %mul3A_182 = arith.mulf %gather3A_179, %get3A_181 : vector<16xf32>
    %add3A_183 = arith.addf %add3A_176, %mul3A_182 : vector<16xf32>
    %get3A_184 = arith.constant 416 : index
    %get3A_185 = tpu.vector_load %arg8[%get3A_184] {strides = array<i32>} : memref<1024xi32, #tpu.memory_space<vmem>>, vector<16xi32>,
    %gather3A_186 = tpu.vector_load_idx %arg6[%get3A_185] : memref<32768xf32, #tpu.memory_space<vmem>>[vector<16xi32>], vector<16xf32>,
    %get3A_187 = arith.constant 416 : index
    %get3A_188 = tpu.vector_load %arg7[%get3A_187] {strides = array<i32>} : memref<1024xf32, #tpu.memory_space<vmem>>, vector<16xf32>,
    %mul3A_189 = arith.mulf %gather3A_186, %get3A_188 : vector<16xf32>
    %add3A_190 = arith.addf %add3A_183, %mul3A_189 : vector<16xf32>
    %get3A_191 = arith.constant 432 : index
    %get3A_192 = tpu.vector_load %arg8[%get3A_191] {strides = array<i32>} : memref<1024xi32, #tpu.memory_space<vmem>>, vector<16xi32>,
    %gather3A_193 = tpu.vector_load_idx %arg6[%get3A_192] : memref<32768xf32, #tpu.memory_space<vmem>>[vector<16xi32>], vector<16xf32>,
    %get3A_194 = arith.constant 432 : index
    %get3A_195 = tpu.vector_load %arg7[%get3A_194] {strides = array<i32>} : memref<1024xf32, #tpu.memory_space<vmem>>, vector<16xf32>,
    %mul3A_196 = arith.mulf %gather3A_193, %get3A_195 : vector<16xf32>
    %add3A_197 = arith.addf %add3A_190, %mul3A_196 : vector<16xf32>
    %get3A_198 = arith.constant 448 : index
    %get3A_199 = tpu.vector_load %arg8[%get3A_198] {strides = array<i32>} : memref<1024xi32, #tpu.memory_space<vmem>>, vector<16xi32>,
    %gather3A_200 = tpu.vector_load_idx %arg6[%get3A_199] : memref<32768xf32, #tpu.memory_space<vmem>>[vector<16xi32>], vector<16xf32>,
    %get3A_201 = arith.constant 448 : index
    %get3A_202 = tpu.vector_load %arg7[%get3A_201] {strides = array<i32>} : memref<1024xf32, #tpu.memory_space<vmem>>, vector<16xf32>,
    %mul3A_203 = arith.mulf %gather3A_200, %get3A_202 : vector<16xf32>
    %add3A_204 = arith.addf %add3A_197, %mul3A_203 : vector<16xf32>
    %get3A_205 = arith.constant 464 : index
    %get3A_206 = tpu.vector_load %arg8[%get3A_205] {strides = array<i32>} : memref<1024xi32, #tpu.memory_space<vmem>>, vector<16xi32>,
    %gather3A_207 = tpu.vector_load_idx %arg6[%get3A_206] : memref<32768xf32, #tpu.memory_space<vmem>>[vector<16xi32>], vector<16xf32>,
    %get3A_208 = arith.constant 464 : index
    %get3A_209 = tpu.vector_load %arg7[%get3A_208] {strides = array<i32>} : memref<1024xf32, #tpu.memory_space<vmem>>, vector<16xf32>,
    %mul3A_210 = arith.mulf %gather3A_207, %get3A_209 : vector<16xf32>
    %add3A_211 = arith.addf %add3A_204, %mul3A_210 : vector<16xf32>
    %get3A_212 = arith.constant 480 : index
    %get3A_213 = tpu.vector_load %arg8[%get3A_212] {strides = array<i32>} : memref<1024xi32, #tpu.memory_space<vmem>>, vector<16xi32>,
    %gather3A_214 = tpu.vector_load_idx %arg6[%get3A_213] : memref<32768xf32, #tpu.memory_space<vmem>>[vector<16xi32>], vector<16xf32>,
    %get3A_215 = arith.constant 480 : index
    %get3A_216 = tpu.vector_load %arg7[%get3A_215] {strides = array<i32>} : memref<1024xf32, #tpu.memory_space<vmem>>, vector<16xf32>,
    %mul3A_217 = arith.mulf %gather3A_214, %get3A_216 : vector<16xf32>
    %add3A_218 = arith.addf %add3A_211, %mul3A_217 : vector<16xf32>
    %get3A_219 = arith.constant 496 : index
    %get3A_220 = tpu.vector_load %arg8[%get3A_219] {strides = array<i32>} : memref<1024xi32, #tpu.memory_space<vmem>>, vector<16xi32>,
    %gather3A_221 = tpu.vector_load_idx %arg6[%get3A_220] : memref<32768xf32, #tpu.memory_space<vmem>>[vector<16xi32>], vector<16xf32>,
    %get3A_222 = arith.constant 496 : index
    %get3A_223 = tpu.vector_load %arg7[%get3A_222] {strides = array<i32>} : memref<1024xf32, #tpu.memory_space<vmem>>, vector<16xf32>,
    %mul3A_224 = arith.mulf %gather3A_221, %get3A_223 : vector<16xf32>
    %add3A_225 = arith.addf %add3A_218, %mul3A_224 : vector<16xf32>
    %get3A_226 = arith.constant 512 : index
    %get3A_227 = tpu.vector_load %arg8[%get3A_226] {strides = array<i32>} : memref<1024xi32, #tpu.memory_space<vmem>>, vector<16xi32>,
    %gather3A_228 = tpu.vector_load_idx %arg6[%get3A_227] : memref<32768xf32, #tpu.memory_space<vmem>>[vector<16xi32>], vector<16xf32>,
    %get3A_229 = arith.constant 512 : index
    %get3A_230 = tpu.vector_load %arg7[%get3A_229] {strides = array<i32>} : memref<1024xf32, #tpu.memory_space<vmem>>, vector<16xf32>,
    %mul3A_231 = arith.mulf %gather3A_228, %get3A_230 : vector<16xf32>
    %add3A_232 = arith.addf %add3A_225, %mul3A_231 : vector<16xf32>
    %get3A_233 = arith.constant 528 : index
    %get3A_234 = tpu.vector_load %arg8[%get3A_233] {strides = array<i32>} : memref<1024xi32, #tpu.memory_space<vmem>>, vector<16xi32>,
    %gather3A_235 = tpu.vector_load_idx %arg6[%get3A_234] : memref<32768xf32, #tpu.memory_space<vmem>>[vector<16xi32>], vector<16xf32>,
    %get3A_236 = arith.constant 528 : index
    %get3A_237 = tpu.vector_load %arg7[%get3A_236] {strides = array<i32>} : memref<1024xf32, #tpu.memory_space<vmem>>, vector<16xf32>,
    %mul3A_238 = arith.mulf %gather3A_235, %get3A_237 : vector<16xf32>
    %add3A_239 = arith.addf %add3A_232, %mul3A_238 : vector<16xf32>
    %get3A_240 = arith.constant 544 : index
    %get3A_241 = tpu.vector_load %arg8[%get3A_240] {strides = array<i32>} : memref<1024xi32, #tpu.memory_space<vmem>>, vector<16xi32>,
    %gather3A_242 = tpu.vector_load_idx %arg6[%get3A_241] : memref<32768xf32, #tpu.memory_space<vmem>>[vector<16xi32>], vector<16xf32>,
    %get3A_243 = arith.constant 544 : index
    %get3A_244 = tpu.vector_load %arg7[%get3A_243] {strides = array<i32>} : memref<1024xf32, #tpu.memory_space<vmem>>, vector<16xf32>,
    %mul3A_245 = arith.mulf %gather3A_242, %get3A_244 : vector<16xf32>
    %add3A_246 = arith.addf %add3A_239, %mul3A_245 : vector<16xf32>
    %get3A_247 = arith.constant 560 : index
    %get3A_248 = tpu.vector_load %arg8[%get3A_247] {strides = array<i32>} : memref<1024xi32, #tpu.memory_space<vmem>>, vector<16xi32>,
    %gather3A_249 = tpu.vector_load_idx %arg6[%get3A_248] : memref<32768xf32, #tpu.memory_space<vmem>>[vector<16xi32>], vector<16xf32>,
    %get3A_250 = arith.constant 560 : index
    %get3A_251 = tpu.vector_load %arg7[%get3A_250] {strides = array<i32>} : memref<1024xf32, #tpu.memory_space<vmem>>, vector<16xf32>,
    %mul3A_252 = arith.mulf %gather3A_249, %get3A_251 : vector<16xf32>
    %add3A_253 = arith.addf %add3A_246, %mul3A_252 : vector<16xf32>
    %get3A_254 = arith.constant 576 : index
    %get3A_255 = tpu.vector_load %arg8[%get3A_254] {strides = array<i32>} : memref<1024xi32, #tpu.memory_space<vmem>>, vector<16xi32>,
    %gather3A_256 = tpu.vector_load_idx %arg6[%get3A_255] : memref<32768xf32, #tpu.memory_space<vmem>>[vector<16xi32>], vector<16xf32>,
    %get3A_257 = arith.constant 576 : index
    %get3A_258 = tpu.vector_load %arg7[%get3A_257] {strides = array<i32>} : memref<1024xf32, #tpu.memory_space<vmem>>, vector<16xf32>,
    %mul3A_259 = arith.mulf %gather3A_256, %get3A_258 : vector<16xf32>
    %add3A_260 = arith.addf %add3A_253, %mul3A_259 : vector<16xf32>
    %get3A_261 = arith.constant 592 : index
    %get3A_262 = tpu.vector_load %arg8[%get3A_261] {strides = array<i32>} : memref<1024xi32, #tpu.memory_space<vmem>>, vector<16xi32>,
    %gather3A_263 = tpu.vector_load_idx %arg6[%get3A_262] : memref<32768xf32, #tpu.memory_space<vmem>>[vector<16xi32>], vector<16xf32>,
    %get3A_264 = arith.constant 592 : index
    %get3A_265 = tpu.vector_load %arg7[%get3A_264] {strides = array<i32>} : memref<1024xf32, #tpu.memory_space<vmem>>, vector<16xf32>,
    %mul3A_266 = arith.mulf %gather3A_263, %get3A_265 : vector<16xf32>
    %add3A_267 = arith.addf %add3A_260, %mul3A_266 : vector<16xf32>
    %get3A_268 = arith.constant 608 : index
    %get3A_269 = tpu.vector_load %arg8[%get3A_268] {strides = array<i32>} : memref<1024xi32, #tpu.memory_space<vmem>>, vector<16xi32>,
    %gather3A_270 = tpu.vector_load_idx %arg6[%get3A_269] : memref<32768xf32, #tpu.memory_space<vmem>>[vector<16xi32>], vector<16xf32>,
    %get3A_271 = arith.constant 608 : index
    %get3A_272 = tpu.vector_load %arg7[%get3A_271] {strides = array<i32>} : memref<1024xf32, #tpu.memory_space<vmem>>, vector<16xf32>,
    %mul3A_273 = arith.mulf %gather3A_270, %get3A_272 : vector<16xf32>
    %add3A_274 = arith.addf %add3A_267, %mul3A_273 : vector<16xf32>
    %get3A_275 = arith.constant 624 : index
    %get3A_276 = tpu.vector_load %arg8[%get3A_275] {strides = array<i32>} : memref<1024xi32, #tpu.memory_space<vmem>>, vector<16xi32>,
    %gather3A_277 = tpu.vector_load_idx %arg6[%get3A_276] : memref<32768xf32, #tpu.memory_space<vmem>>[vector<16xi32>], vector<16xf32>,
    %get3A_278 = arith.constant 624 : index
    %get3A_279 = tpu.vector_load %arg7[%get3A_278] {strides = array<i32>} : memref<1024xf32, #tpu.memory_space<vmem>>, vector<16xf32>,
    %mul3A_280 = arith.mulf %gather3A_277, %get3A_279 : vector<16xf32>
    %add3A_281 = arith.addf %add3A_274, %mul3A_280 : vector<16xf32>
    %get3A_282 = arith.constant 640 : index
    %get3A_283 = tpu.vector_load %arg8[%get3A_282] {strides = array<i32>} : memref<1024xi32, #tpu.memory_space<vmem>>, vector<16xi32>,
    %gather3A_284 = tpu.vector_load_idx %arg6[%get3A_283] : memref<32768xf32, #tpu.memory_space<vmem>>[vector<16xi32>], vector<16xf32>,
    %get3A_285 = arith.constant 640 : index
    %get3A_286 = tpu.vector_load %arg7[%get3A_285] {strides = array<i32>} : memref<1024xf32, #tpu.memory_space<vmem>>, vector<16xf32>,
    %mul3A_287 = arith.mulf %gather3A_284, %get3A_286 : vector<16xf32>
    %add3A_288 = arith.addf %add3A_281, %mul3A_287 : vector<16xf32>
    %get3A_289 = arith.constant 656 : index
    %get3A_290 = tpu.vector_load %arg8[%get3A_289] {strides = array<i32>} : memref<1024xi32, #tpu.memory_space<vmem>>, vector<16xi32>,
    %gather3A_291 = tpu.vector_load_idx %arg6[%get3A_290] : memref<32768xf32, #tpu.memory_space<vmem>>[vector<16xi32>], vector<16xf32>,
    %get3A_292 = arith.constant 656 : index
    %get3A_293 = tpu.vector_load %arg7[%get3A_292] {strides = array<i32>} : memref<1024xf32, #tpu.memory_space<vmem>>, vector<16xf32>,
    %mul3A_294 = arith.mulf %gather3A_291, %get3A_293 : vector<16xf32>
    %add3A_295 = arith.addf %add3A_288, %mul3A_294 : vector<16xf32>
    %get3A_296 = arith.constant 672 : index
    %get3A_297 = tpu.vector_load %arg8[%get3A_296] {strides = array<i32>} : memref<1024xi32, #tpu.memory_space<vmem>>, vector<16xi32>,
    %gather3A_298 = tpu.vector_load_idx %arg6[%get3A_297] : memref<32768xf32, #tpu.memory_space<vmem>>[vector<16xi32>], vector<16xf32>,
    %get3A_299 = arith.constant 672 : index
    %get3A_300 = tpu.vector_load %arg7[%get3A_299] {strides = array<i32>} : memref<1024xf32, #tpu.memory_space<vmem>>, vector<16xf32>,
    %mul3A_301 = arith.mulf %gather3A_298, %get3A_300 : vector<16xf32>
    %add3A_302 = arith.addf %add3A_295, %mul3A_301 : vector<16xf32>
    %get3A_303 = arith.constant 688 : index
    %get3A_304 = tpu.vector_load %arg8[%get3A_303] {strides = array<i32>} : memref<1024xi32, #tpu.memory_space<vmem>>, vector<16xi32>,
    %gather3A_305 = tpu.vector_load_idx %arg6[%get3A_304] : memref<32768xf32, #tpu.memory_space<vmem>>[vector<16xi32>], vector<16xf32>,
    %get3A_306 = arith.constant 688 : index
    %get3A_307 = tpu.vector_load %arg7[%get3A_306] {strides = array<i32>} : memref<1024xf32, #tpu.memory_space<vmem>>, vector<16xf32>,
    %mul3A_308 = arith.mulf %gather3A_305, %get3A_307 : vector<16xf32>
    %add3A_309 = arith.addf %add3A_302, %mul3A_308 : vector<16xf32>
    %get3A_310 = arith.constant 704 : index
    %get3A_311 = tpu.vector_load %arg8[%get3A_310] {strides = array<i32>} : memref<1024xi32, #tpu.memory_space<vmem>>, vector<16xi32>,
    %gather3A_312 = tpu.vector_load_idx %arg6[%get3A_311] : memref<32768xf32, #tpu.memory_space<vmem>>[vector<16xi32>], vector<16xf32>,
    %get3A_313 = arith.constant 704 : index
    %get3A_314 = tpu.vector_load %arg7[%get3A_313] {strides = array<i32>} : memref<1024xf32, #tpu.memory_space<vmem>>, vector<16xf32>,
    %mul3A_315 = arith.mulf %gather3A_312, %get3A_314 : vector<16xf32>
    %add3A_316 = arith.addf %add3A_309, %mul3A_315 : vector<16xf32>
    %get3A_317 = arith.constant 720 : index
    %get3A_318 = tpu.vector_load %arg8[%get3A_317] {strides = array<i32>} : memref<1024xi32, #tpu.memory_space<vmem>>, vector<16xi32>,
    %gather3A_319 = tpu.vector_load_idx %arg6[%get3A_318] : memref<32768xf32, #tpu.memory_space<vmem>>[vector<16xi32>], vector<16xf32>,
    %get3A_320 = arith.constant 720 : index
    %get3A_321 = tpu.vector_load %arg7[%get3A_320] {strides = array<i32>} : memref<1024xf32, #tpu.memory_space<vmem>>, vector<16xf32>,
    %mul3A_322 = arith.mulf %gather3A_319, %get3A_321 : vector<16xf32>
    %add3A_323 = arith.addf %add3A_316, %mul3A_322 : vector<16xf32>
    %get3A_324 = arith.constant 736 : index
    %get3A_325 = tpu.vector_load %arg8[%get3A_324] {strides = array<i32>} : memref<1024xi32, #tpu.memory_space<vmem>>, vector<16xi32>,
    %gather3A_326 = tpu.vector_load_idx %arg6[%get3A_325] : memref<32768xf32, #tpu.memory_space<vmem>>[vector<16xi32>], vector<16xf32>,
    %get3A_327 = arith.constant 736 : index
    %get3A_328 = tpu.vector_load %arg7[%get3A_327] {strides = array<i32>} : memref<1024xf32, #tpu.memory_space<vmem>>, vector<16xf32>,
    %mul3A_329 = arith.mulf %gather3A_326, %get3A_328 : vector<16xf32>
    %add3A_330 = arith.addf %add3A_323, %mul3A_329 : vector<16xf32>
    %get3A_331 = arith.constant 752 : index
    %get3A_332 = tpu.vector_load %arg8[%get3A_331] {strides = array<i32>} : memref<1024xi32, #tpu.memory_space<vmem>>, vector<16xi32>,
    %gather3A_333 = tpu.vector_load_idx %arg6[%get3A_332] : memref<32768xf32, #tpu.memory_space<vmem>>[vector<16xi32>], vector<16xf32>,
    %get3A_334 = arith.constant 752 : index
    %get3A_335 = tpu.vector_load %arg7[%get3A_334] {strides = array<i32>} : memref<1024xf32, #tpu.memory_space<vmem>>, vector<16xf32>,
    %mul3A_336 = arith.mulf %gather3A_333, %get3A_335 : vector<16xf32>
    %add3A_337 = arith.addf %add3A_330, %mul3A_336 : vector<16xf32>
    %get3A_338 = arith.constant 768 : index
    %get3A_339 = tpu.vector_load %arg8[%get3A_338] {strides = array<i32>} : memref<1024xi32, #tpu.memory_space<vmem>>, vector<16xi32>,
    %gather3A_340 = tpu.vector_load_idx %arg6[%get3A_339] : memref<32768xf32, #tpu.memory_space<vmem>>[vector<16xi32>], vector<16xf32>,
    %get3A_341 = arith.constant 768 : index
    %get3A_342 = tpu.vector_load %arg7[%get3A_341] {strides = array<i32>} : memref<1024xf32, #tpu.memory_space<vmem>>, vector<16xf32>,
    %mul3A_343 = arith.mulf %gather3A_340, %get3A_342 : vector<16xf32>
    %add3A_344 = arith.addf %add3A_337, %mul3A_343 : vector<16xf32>
    %get3A_345 = arith.constant 784 : index
    %get3A_346 = tpu.vector_load %arg8[%get3A_345] {strides = array<i32>} : memref<1024xi32, #tpu.memory_space<vmem>>, vector<16xi32>,
    %gather3A_347 = tpu.vector_load_idx %arg6[%get3A_346] : memref<32768xf32, #tpu.memory_space<vmem>>[vector<16xi32>], vector<16xf32>,
    %get3A_348 = arith.constant 784 : index
    %get3A_349 = tpu.vector_load %arg7[%get3A_348] {strides = array<i32>} : memref<1024xf32, #tpu.memory_space<vmem>>, vector<16xf32>,
    %mul3A_350 = arith.mulf %gather3A_347, %get3A_349 : vector<16xf32>
    %add3A_351 = arith.addf %add3A_344, %mul3A_350 : vector<16xf32>
    %get3A_352 = arith.constant 800 : index
    %get3A_353 = tpu.vector_load %arg8[%get3A_352] {strides = array<i32>} : memref<1024xi32, #tpu.memory_space<vmem>>, vector<16xi32>,
    %gather3A_354 = tpu.vector_load_idx %arg6[%get3A_353] : memref<32768xf32, #tpu.memory_space<vmem>>[vector<16xi32>], vector<16xf32>,
    %get3A_355 = arith.constant 800 : index
    %get3A_356 = tpu.vector_load %arg7[%get3A_355] {strides = array<i32>} : memref<1024xf32, #tpu.memory_space<vmem>>, vector<16xf32>,
    %mul3A_357 = arith.mulf %gather3A_354, %get3A_356 : vector<16xf32>
    %add3A_358 = arith.addf %add3A_351, %mul3A_357 : vector<16xf32>
    %get3A_359 = arith.constant 816 : index
    %get3A_360 = tpu.vector_load %arg8[%get3A_359] {strides = array<i32>} : memref<1024xi32, #tpu.memory_space<vmem>>, vector<16xi32>,
    %gather3A_361 = tpu.vector_load_idx %arg6[%get3A_360] : memref<32768xf32, #tpu.memory_space<vmem>>[vector<16xi32>], vector<16xf32>,
    %get3A_362 = arith.constant 816 : index
    %get3A_363 = tpu.vector_load %arg7[%get3A_362] {strides = array<i32>} : memref<1024xf32, #tpu.memory_space<vmem>>, vector<16xf32>,
    %mul3A_364 = arith.mulf %gather3A_361, %get3A_363 : vector<16xf32>
    %add3A_365 = arith.addf %add3A_358, %mul3A_364 : vector<16xf32>
    %get3A_366 = arith.constant 832 : index
    %get3A_367 = tpu.vector_load %arg8[%get3A_366] {strides = array<i32>} : memref<1024xi32, #tpu.memory_space<vmem>>, vector<16xi32>,
    %gather3A_368 = tpu.vector_load_idx %arg6[%get3A_367] : memref<32768xf32, #tpu.memory_space<vmem>>[vector<16xi32>], vector<16xf32>,
    %get3A_369 = arith.constant 832 : index
    %get3A_370 = tpu.vector_load %arg7[%get3A_369] {strides = array<i32>} : memref<1024xf32, #tpu.memory_space<vmem>>, vector<16xf32>,
    %mul3A_371 = arith.mulf %gather3A_368, %get3A_370 : vector<16xf32>
    %add3A_372 = arith.addf %add3A_365, %mul3A_371 : vector<16xf32>
    %get3A_373 = arith.constant 848 : index
    %get3A_374 = tpu.vector_load %arg8[%get3A_373] {strides = array<i32>} : memref<1024xi32, #tpu.memory_space<vmem>>, vector<16xi32>,
    %gather3A_375 = tpu.vector_load_idx %arg6[%get3A_374] : memref<32768xf32, #tpu.memory_space<vmem>>[vector<16xi32>], vector<16xf32>,
    %get3A_376 = arith.constant 848 : index
    %get3A_377 = tpu.vector_load %arg7[%get3A_376] {strides = array<i32>} : memref<1024xf32, #tpu.memory_space<vmem>>, vector<16xf32>,
    %mul3A_378 = arith.mulf %gather3A_375, %get3A_377 : vector<16xf32>
    %add3A_379 = arith.addf %add3A_372, %mul3A_378 : vector<16xf32>
    %get3A_380 = arith.constant 864 : index
    %get3A_381 = tpu.vector_load %arg8[%get3A_380] {strides = array<i32>} : memref<1024xi32, #tpu.memory_space<vmem>>, vector<16xi32>,
    %gather3A_382 = tpu.vector_load_idx %arg6[%get3A_381] : memref<32768xf32, #tpu.memory_space<vmem>>[vector<16xi32>], vector<16xf32>,
    %get3A_383 = arith.constant 864 : index
    %get3A_384 = tpu.vector_load %arg7[%get3A_383] {strides = array<i32>} : memref<1024xf32, #tpu.memory_space<vmem>>, vector<16xf32>,
    %mul3A_385 = arith.mulf %gather3A_382, %get3A_384 : vector<16xf32>
    %add3A_386 = arith.addf %add3A_379, %mul3A_385 : vector<16xf32>
    %get3A_387 = arith.constant 880 : index
    %get3A_388 = tpu.vector_load %arg8[%get3A_387] {strides = array<i32>} : memref<1024xi32, #tpu.memory_space<vmem>>, vector<16xi32>,
    %gather3A_389 = tpu.vector_load_idx %arg6[%get3A_388] : memref<32768xf32, #tpu.memory_space<vmem>>[vector<16xi32>], vector<16xf32>,
    %get3A_390 = arith.constant 880 : index
    %get3A_391 = tpu.vector_load %arg7[%get3A_390] {strides = array<i32>} : memref<1024xf32, #tpu.memory_space<vmem>>, vector<16xf32>,
    %mul3A_392 = arith.mulf %gather3A_389, %get3A_391 : vector<16xf32>
    %add3A_393 = arith.addf %add3A_386, %mul3A_392 : vector<16xf32>
    %get3A_394 = arith.constant 896 : index
    %get3A_395 = tpu.vector_load %arg8[%get3A_394] {strides = array<i32>} : memref<1024xi32, #tpu.memory_space<vmem>>, vector<16xi32>,
    %gather3A_396 = tpu.vector_load_idx %arg6[%get3A_395] : memref<32768xf32, #tpu.memory_space<vmem>>[vector<16xi32>], vector<16xf32>,
    %get3A_397 = arith.constant 896 : index
    %get3A_398 = tpu.vector_load %arg7[%get3A_397] {strides = array<i32>} : memref<1024xf32, #tpu.memory_space<vmem>>, vector<16xf32>,
    %mul3A_399 = arith.mulf %gather3A_396, %get3A_398 : vector<16xf32>
    %add3A_400 = arith.addf %add3A_393, %mul3A_399 : vector<16xf32>
    %get3A_401 = arith.constant 912 : index
    %get3A_402 = tpu.vector_load %arg8[%get3A_401] {strides = array<i32>} : memref<1024xi32, #tpu.memory_space<vmem>>, vector<16xi32>,
    %gather3A_403 = tpu.vector_load_idx %arg6[%get3A_402] : memref<32768xf32, #tpu.memory_space<vmem>>[vector<16xi32>], vector<16xf32>,
    %get3A_404 = arith.constant 912 : index
    %get3A_405 = tpu.vector_load %arg7[%get3A_404] {strides = array<i32>} : memref<1024xf32, #tpu.memory_space<vmem>>, vector<16xf32>,
    %mul3A_406 = arith.mulf %gather3A_403, %get3A_405 : vector<16xf32>
    %add3A_407 = arith.addf %add3A_400, %mul3A_406 : vector<16xf32>
    %get3A_408 = arith.constant 928 : index
    %get3A_409 = tpu.vector_load %arg8[%get3A_408] {strides = array<i32>} : memref<1024xi32, #tpu.memory_space<vmem>>, vector<16xi32>,
    %gather3A_410 = tpu.vector_load_idx %arg6[%get3A_409] : memref<32768xf32, #tpu.memory_space<vmem>>[vector<16xi32>], vector<16xf32>,
    %get3A_411 = arith.constant 928 : index
    %get3A_412 = tpu.vector_load %arg7[%get3A_411] {strides = array<i32>} : memref<1024xf32, #tpu.memory_space<vmem>>, vector<16xf32>,
    %mul3A_413 = arith.mulf %gather3A_410, %get3A_412 : vector<16xf32>
    %add3A_414 = arith.addf %add3A_407, %mul3A_413 : vector<16xf32>
    %get3A_415 = arith.constant 944 : index
    %get3A_416 = tpu.vector_load %arg8[%get3A_415] {strides = array<i32>} : memref<1024xi32, #tpu.memory_space<vmem>>, vector<16xi32>,
    %gather3A_417 = tpu.vector_load_idx %arg6[%get3A_416] : memref<32768xf32, #tpu.memory_space<vmem>>[vector<16xi32>], vector<16xf32>,
    %get3A_418 = arith.constant 944 : index
    %get3A_419 = tpu.vector_load %arg7[%get3A_418] {strides = array<i32>} : memref<1024xf32, #tpu.memory_space<vmem>>, vector<16xf32>,
    %mul3A_420 = arith.mulf %gather3A_417, %get3A_419 : vector<16xf32>
    %add3A_421 = arith.addf %add3A_414, %mul3A_420 : vector<16xf32>
    %get3A_422 = arith.constant 960 : index
    %get3A_423 = tpu.vector_load %arg8[%get3A_422] {strides = array<i32>} : memref<1024xi32, #tpu.memory_space<vmem>>, vector<16xi32>,
    %gather3A_424 = tpu.vector_load_idx %arg6[%get3A_423] : memref<32768xf32, #tpu.memory_space<vmem>>[vector<16xi32>], vector<16xf32>,
    %get3A_425 = arith.constant 960 : index
    %get3A_426 = tpu.vector_load %arg7[%get3A_425] {strides = array<i32>} : memref<1024xf32, #tpu.memory_space<vmem>>, vector<16xf32>,
    %mul3A_427 = arith.mulf %gather3A_424, %get3A_426 : vector<16xf32>
    %add3A_428 = arith.addf %add3A_421, %mul3A_427 : vector<16xf32>
    %get3A_429 = arith.constant 976 : index
    %get3A_430 = tpu.vector_load %arg8[%get3A_429] {strides = array<i32>} : memref<1024xi32, #tpu.memory_space<vmem>>, vector<16xi32>,
    %gather3A_431 = tpu.vector_load_idx %arg6[%get3A_430] : memref<32768xf32, #tpu.memory_space<vmem>>[vector<16xi32>], vector<16xf32>,
    %get3A_432 = arith.constant 976 : index
    %get3A_433 = tpu.vector_load %arg7[%get3A_432] {strides = array<i32>} : memref<1024xf32, #tpu.memory_space<vmem>>, vector<16xf32>,
    %mul3A_434 = arith.mulf %gather3A_431, %get3A_433 : vector<16xf32>
    %add3A_435 = arith.addf %add3A_428, %mul3A_434 : vector<16xf32>
    %get3A_436 = arith.constant 992 : index
    %get3A_437 = tpu.vector_load %arg8[%get3A_436] {strides = array<i32>} : memref<1024xi32, #tpu.memory_space<vmem>>, vector<16xi32>,
    %gather3A_438 = tpu.vector_load_idx %arg6[%get3A_437] : memref<32768xf32, #tpu.memory_space<vmem>>[vector<16xi32>], vector<16xf32>,
    %get3A_439 = arith.constant 992 : index
    %get3A_440 = tpu.vector_load %arg7[%get3A_439] {strides = array<i32>} : memref<1024xf32, #tpu.memory_space<vmem>>, vector<16xf32>,
    %mul3A_441 = arith.mulf %gather3A_438, %get3A_440 : vector<16xf32>
    %add3A_442 = arith.addf %add3A_435, %mul3A_441 : vector<16xf32>
    %get3A_443 = arith.constant 1008 : index
    %get3A_444 = tpu.vector_load %arg8[%get3A_443] {strides = array<i32>} : memref<1024xi32, #tpu.memory_space<vmem>>, vector<16xi32>,
    %gather3A_445 = tpu.vector_load_idx %arg6[%get3A_444] : memref<32768xf32, #tpu.memory_space<vmem>>[vector<16xi32>], vector<16xf32>,
    %get3A_446 = arith.constant 1008 : index
    %get3A_447 = tpu.vector_load %arg7[%get3A_446] {strides = array<i32>} : memref<1024xf32, #tpu.memory_space<vmem>>, vector<16xf32>,
    %mul3A_448 = arith.mulf %gather3A_445, %get3A_447 : vector<16xf32>
    %add3A_449 = arith.addf %add3A_442, %mul3A_448 : vector<16xf32>
    %swap3A = arith.constant 0 : index
    %swap3A_450 = tpu.vector_load %arg9[%swap3A] {strides = array<i32>} : memref<16xf32, #tpu.memory_space<vmem>>, vector<16xf32>,
    tpu.vector_store %arg9[%swap3A], %add3A_449 {strides = array<i32>} : memref<16xf32, #tpu.memory_space<vmem>>, vector<16xf32>,
    "tpu.region"() ({
      %run_scoped3A = tpu.sem_alloc : memref<!tpu.dma_semaphore, #tpu.memory_space<semaphore_mem>>
      %dma_start3A = arith.constant 0 : i32
      %dma_start3A_451 = tpu.memref_slice %arg5[%add3A, %dma_start3A] : memref<32x16xf32, #tpu.memory_space<hbm>> -> memref<1x16xf32, #tpu.memory_space<hbm>>
      %dma_start3A_452 = tpu.memref_squeeze %dma_start3A_451 : memref<1x16xf32, #tpu.memory_space<hbm>> -> memref<16xf32, #tpu.memory_space<hbm>>
      %dma_start3A_453 = arith.constant 0 : i32
      %dma_start3A_454 = tpu.memref_slice %arg5[%add3A, %dma_start3A_453] : memref<32x16xf32, #tpu.memory_space<hbm>> -> memref<1x16xf32, #tpu.memory_space<hbm>>
      %dma_start3A_455 = tpu.memref_squeeze %dma_start3A_454 : memref<1x16xf32, #tpu.memory_space<hbm>> -> memref<16xf32, #tpu.memory_space<hbm>>
      tpu.enqueue_dma source(%arg9 : memref<16xf32, #tpu.memory_space<vmem>>) target(%dma_start3A_455 : memref<16xf32, #tpu.memory_space<hbm>>) target_semaphore(%run_scoped3A : memref<!tpu.dma_semaphore, #tpu.memory_space<semaphore_mem>>)
      %dma_wait3A = arith.constant 0 : i32
      %dma_wait3A_456 = tpu.memref_slice %arg5[%add3A, %dma_wait3A] : memref<32x16xf32, #tpu.memory_space<hbm>> -> memref<1x16xf32, #tpu.memory_space<hbm>>
      %dma_wait3A_457 = tpu.memref_squeeze %dma_wait3A_456 : memref<1x16xf32, #tpu.memory_space<hbm>> -> memref<16xf32, #tpu.memory_space<hbm>>
      %dma_wait3A_458 = arith.constant 0 : i32
      %dma_wait3A_459 = tpu.memref_slice %arg5[%add3A, %dma_wait3A_458] : memref<32x16xf32, #tpu.memory_space<hbm>> -> memref<1x16xf32, #tpu.memory_space<hbm>>
      %dma_wait3A_460 = tpu.memref_squeeze %dma_wait3A_459 : memref<1x16xf32, #tpu.memory_space<hbm>> -> memref<16xf32, #tpu.memory_space<hbm>>
      tpu.wait_dma2 semaphore(%run_scoped3A : memref<!tpu.dma_semaphore, #tpu.memory_space<semaphore_mem>>) src(%arg9 : memref<16xf32, #tpu.memory_space<vmem>>) dst(%dma_wait3A_460 : memref<16xf32, #tpu.memory_space<hbm>>)
      tpu.yield
    }) : () -> ()
    return
  }
}

module attributes {stable_mosaic.version = 14 : i64} {
  func.func @_match_body(%arg0: memref<256x128xf32, #tpu.memory_space<vmem>>, %arg1: memref<256x128xf32, #tpu.memory_space<vmem>>, %arg2: memref<256x128xf32, #tpu.memory_space<vmem>>, %arg3: memref<256x128xf32, #tpu.memory_space<vmem>>, %arg4: memref<256x128xf32, #tpu.memory_space<vmem>>, %arg5: memref<256x128xf32, #tpu.memory_space<vmem>>, %arg6: memref<256x128xf32, #tpu.memory_space<vmem>>, %arg7: memref<256x128xf32, #tpu.memory_space<vmem>>, %arg8: memref<256x128xf32, #tpu.memory_space<vmem>>, %arg9: memref<100x4xf32, #tpu.memory_space<smem>>, %arg10: memref<1x1xf32, #tpu.memory_space<smem>>, %arg11: memref<1x1xf32, #tpu.memory_space<smem>>, %arg12: memref<1x1xf32, #tpu.memory_space<smem>>, %arg13: memref<1x1xf32, #tpu.memory_space<smem>>, %arg14: memref<256x128xf32, #tpu.memory_space<vmem>>, %arg15: memref<256x128xi32, #tpu.memory_space<vmem>>) attributes {dimension_semantics = [], scalar_prefetch = 0 : i64, scratch_operands = 0 : i64, tpu.core_type = #tpu.core_type<tc>} {
    %get3A = arith.constant 0 : index
    %get3A_0 = arith.constant 0 : index
    %get3A_1 = vector.load %arg0[%get3A, %get3A_0] : memref<256x128xf32, #tpu.memory_space<vmem>>, vector<256x128xf32>
    %get3A_2 = arith.constant 0 : index
    %get3A_3 = arith.constant 0 : index
    %get3A_4 = vector.load %arg4[%get3A_2, %get3A_3] : memref<256x128xf32, #tpu.memory_space<vmem>>, vector<256x128xf32>
    %add3A = arith.addf %get3A_1, %get3A_4 : vector<256x128xf32>
    %jit3A = arith.constant 0.000000e+00 : f32
    %jit3A_5 = arith.constant 1.920000e+03 : f32
    %max3A = vector.broadcast %jit3A : f32 to vector<256x128xf32>
    %max3A_6 = arith.maximumf %max3A, %add3A : vector<256x128xf32>
    %min3A = vector.broadcast %jit3A_5 : f32 to vector<256x128xf32>
    %min3A_7 = arith.minimumf %min3A, %max3A_6 : vector<256x128xf32>
    %get3A_8 = arith.constant 0 : index
    %get3A_9 = arith.constant 0 : index
    %get3A_10 = vector.load %arg1[%get3A_8, %get3A_9] : memref<256x128xf32, #tpu.memory_space<vmem>>, vector<256x128xf32>
    %get3A_11 = arith.constant 0 : index
    %get3A_12 = arith.constant 0 : index
    %get3A_13 = vector.load %arg5[%get3A_11, %get3A_12] : memref<256x128xf32, #tpu.memory_space<vmem>>, vector<256x128xf32>
    %add3A_14 = arith.addf %get3A_10, %get3A_13 : vector<256x128xf32>
    %jit3A_15 = arith.constant 0.000000e+00 : f32
    %jit3A_16 = arith.constant 1.920000e+03 : f32
    %max3A_17 = vector.broadcast %jit3A_15 : f32 to vector<256x128xf32>
    %max3A_18 = arith.maximumf %max3A_17, %add3A_14 : vector<256x128xf32>
    %min3A_19 = vector.broadcast %jit3A_16 : f32 to vector<256x128xf32>
    %min3A_20 = arith.minimumf %min3A_19, %max3A_18 : vector<256x128xf32>
    %get3A_21 = arith.constant 0 : index
    %get3A_22 = arith.constant 0 : index
    %get3A_23 = vector.load %arg2[%get3A_21, %get3A_22] : memref<256x128xf32, #tpu.memory_space<vmem>>, vector<256x128xf32>
    %get3A_24 = arith.constant 0 : index
    %get3A_25 = arith.constant 0 : index
    %get3A_26 = vector.load %arg6[%get3A_24, %get3A_25] : memref<256x128xf32, #tpu.memory_space<vmem>>, vector<256x128xf32>
    %add3A_27 = arith.addf %get3A_23, %get3A_26 : vector<256x128xf32>
    %jit3A_28 = arith.constant 0.000000e+00 : f32
    %jit3A_29 = arith.constant 1.920000e+03 : f32
    %max3A_30 = vector.broadcast %jit3A_28 : f32 to vector<256x128xf32>
    %max3A_31 = arith.maximumf %max3A_30, %add3A_27 : vector<256x128xf32>
    %min3A_32 = vector.broadcast %jit3A_29 : f32 to vector<256x128xf32>
    %min3A_33 = arith.minimumf %min3A_32, %max3A_31 : vector<256x128xf32>
    %get3A_34 = arith.constant 0 : index
    %get3A_35 = arith.constant 0 : index
    %get3A_36 = vector.load %arg3[%get3A_34, %get3A_35] : memref<256x128xf32, #tpu.memory_space<vmem>>, vector<256x128xf32>
    %get3A_37 = arith.constant 0 : index
    %get3A_38 = arith.constant 0 : index
    %get3A_39 = vector.load %arg7[%get3A_37, %get3A_38] : memref<256x128xf32, #tpu.memory_space<vmem>>, vector<256x128xf32>
    %add3A_40 = arith.addf %get3A_36, %get3A_39 : vector<256x128xf32>
    %jit3A_41 = arith.constant 0.000000e+00 : f32
    %jit3A_42 = arith.constant 1.920000e+03 : f32
    %max3A_43 = vector.broadcast %jit3A_41 : f32 to vector<256x128xf32>
    %max3A_44 = arith.maximumf %max3A_43, %add3A_40 : vector<256x128xf32>
    %min3A_45 = vector.broadcast %jit3A_42 : f32 to vector<256x128xf32>
    %min3A_46 = arith.minimumf %min3A_45, %max3A_44 : vector<256x128xf32>
    %sub3A = arith.subf %min3A_33, %min3A_7 : vector<256x128xf32>
    %max3A_47 = arith.constant 0.000000e+00 : f32
    %max3A_48 = vector.broadcast %max3A_47 : f32 to vector<256x128xf32>
    %max3A_49 = arith.maximumf %sub3A, %max3A_48 : vector<256x128xf32>
    %sub3A_50 = arith.subf %min3A_46, %min3A_20 : vector<256x128xf32>
    %max3A_51 = arith.constant 0.000000e+00 : f32
    %max3A_52 = vector.broadcast %max3A_51 : f32 to vector<256x128xf32>
    %max3A_53 = arith.maximumf %sub3A_50, %max3A_52 : vector<256x128xf32>
    %mul3A = arith.mulf %max3A_49, %max3A_53 : vector<256x128xf32>
    %iota3A = tpu.iota {dimensions = array<i32: 0>} : vector<256x128xi32>
    %iota3A_54 = tpu.iota {dimensions = array<i32: 1>} : vector<256x128xi32>
    %mul3A_55 = arith.constant 128 : i32
    %mul3A_56 = vector.broadcast %mul3A_55 : i32 to vector<256x128xi32>
    %mul3A_57 = arith.muli %iota3A, %mul3A_56 : vector<256x128xi32>
    %add3A_58 = arith.addi %mul3A_57, %iota3A_54 : vector<256x128xi32>
    %lt3A = arith.constant 32400 : i32
    %lt3A_59 = vector.broadcast %lt3A : i32 to vector<256x128xi32>
    %lt3A_60 = arith.cmpi slt, %add3A_58, %lt3A_59 : vector<256x128xi32>
    %broadcast_in_dim3A = arith.constant -1.000000e+30 : f32
    %broadcast_in_dim3A_61 = vector.broadcast %broadcast_in_dim3A : f32 to vector<256x128xf32>
    %broadcast_in_dim3A_62 = arith.constant 0 : i32
    %broadcast_in_dim3A_63 = vector.broadcast %broadcast_in_dim3A_62 : i32 to vector<256x128xi32>
    %broadcast_in_dim3A_64 = arith.constant -1 : i32
    %broadcast_in_dim3A_65 = vector.broadcast %broadcast_in_dim3A_64 : i32 to vector<256x128xi32>
    %scan3A = arith.constant 1073741824 : i32
    %scan3A_66 = arith.constant 0 : i32
    %scan3A_67 = arith.constant 100 : i32
    %scan3A_68 = arith.addi %scan3A_66, %scan3A_67 : i32
    %scan3A_69 = arith.constant 1 : i32
    %scan3A_70:3 = scf.for %scan3A_253 = %scan3A_66 to %scan3A_68 step %scan3A_69 iter_args(%scan3A_254 = %broadcast_in_dim3A_61, %scan3A_255 = %broadcast_in_dim3A_63, %scan3A_256 = %broadcast_in_dim3A_65) -> (vector<256x128xf32>, vector<256x128xi32>, vector<256x128xi32>)  : i32 {
      %get3A_257 = arith.index_cast %scan3A_253 : i32 to index
      %get3A_258 = arith.constant 0 : index
      %get3A_259 = memref.load %arg9[%get3A_257, %get3A_258] : memref<100x4xf32, #tpu.memory_space<smem>>
      %get3A_260 = arith.index_cast %scan3A_253 : i32 to index
      %get3A_261 = arith.constant 1 : index
      %get3A_262 = memref.load %arg9[%get3A_260, %get3A_261] : memref<100x4xf32, #tpu.memory_space<smem>>
      %get3A_263 = arith.index_cast %scan3A_253 : i32 to index
      %get3A_264 = arith.constant 2 : index
      %get3A_265 = memref.load %arg9[%get3A_263, %get3A_264] : memref<100x4xf32, #tpu.memory_space<smem>>
      %get3A_266 = arith.index_cast %scan3A_253 : i32 to index
      %get3A_267 = arith.constant 3 : index
      %get3A_268 = memref.load %arg9[%get3A_266, %get3A_267] : memref<100x4xf32, #tpu.memory_space<smem>>
      %min3A_269 = vector.broadcast %get3A_265 : f32 to vector<256x128xf32>
      %min3A_270 = arith.minimumf %min3A_33, %min3A_269 : vector<256x128xf32>
      %max3A_271 = vector.broadcast %get3A_259 : f32 to vector<256x128xf32>
      %max3A_272 = arith.maximumf %min3A_7, %max3A_271 : vector<256x128xf32>
      %sub3A_273 = arith.subf %min3A_270, %max3A_272 : vector<256x128xf32>
      %max3A_274 = arith.constant 0.000000e+00 : f32
      %max3A_275 = vector.broadcast %max3A_274 : f32 to vector<256x128xf32>
      %max3A_276 = arith.maximumf %sub3A_273, %max3A_275 : vector<256x128xf32>
      %min3A_277 = vector.broadcast %get3A_268 : f32 to vector<256x128xf32>
      %min3A_278 = arith.minimumf %min3A_46, %min3A_277 : vector<256x128xf32>
      %max3A_279 = vector.broadcast %get3A_262 : f32 to vector<256x128xf32>
      %max3A_280 = arith.maximumf %min3A_20, %max3A_279 : vector<256x128xf32>
      %sub3A_281 = arith.subf %min3A_278, %max3A_280 : vector<256x128xf32>
      %max3A_282 = arith.constant 0.000000e+00 : f32
      %max3A_283 = vector.broadcast %max3A_282 : f32 to vector<256x128xf32>
      %max3A_284 = arith.maximumf %sub3A_281, %max3A_283 : vector<256x128xf32>
      %mul3A_285 = arith.mulf %max3A_276, %max3A_284 : vector<256x128xf32>
      %sub3A_286 = arith.subf %get3A_265, %get3A_259 : f32
      %max3A_287 = arith.constant 0.000000e+00 : f32
      %max3A_288 = arith.maximumf %sub3A_286, %max3A_287 : f32
      %sub3A_289 = arith.subf %get3A_268, %get3A_262 : f32
      %max3A_290 = arith.constant 0.000000e+00 : f32
      %max3A_291 = arith.maximumf %sub3A_289, %max3A_290 : f32
      %mul3A_292 = arith.mulf %max3A_288, %max3A_291 : f32
      %add3A_293 = vector.broadcast %mul3A_292 : f32 to vector<256x128xf32>
      %add3A_294 = arith.addf %mul3A, %add3A_293 : vector<256x128xf32>
      %sub3A_295 = arith.subf %add3A_294, %mul3A_285 : vector<256x128xf32>
      %max3A_296 = arith.constant 9.99999997E-7 : f32
      %max3A_297 = vector.broadcast %max3A_296 : f32 to vector<256x128xf32>
      %max3A_298 = arith.maximumf %sub3A_295, %max3A_297 : vector<256x128xf32>
      %div3A = arith.divf %mul3A_285, %max3A_298 : vector<256x128xf32>
      %jit3A_299 = arith.constant -1.000000e+00 : f32
      %broadcast_in_dim3A_300 = vector.broadcast %jit3A_299 : f32 to vector<256x128xf32>
      %select_n3A_301 = arith.select %lt3A_60, %div3A, %broadcast_in_dim3A_300 : vector<256x128xi1>, vector<256x128xf32>
      %gt3A_302 = arith.cmpf ogt, %select_n3A_301, %scan3A_254 : vector<256x128xf32>
      %broadcast_in_dim3A_303 = vector.broadcast %scan3A_253 : i32 to vector<256x128xi32>
      %select_n3A_304 = arith.select %gt3A_302, %broadcast_in_dim3A_303, %scan3A_255 : vector<256x128xi1>, vector<256x128xi32>
      %max3A_305 = arith.maximumf %scan3A_254, %select_n3A_301 : vector<256x128xf32>
      %reduce_max3A = vector.shape_cast %select_n3A_301 : vector<256x128xf32> to vector<1x256x128xf32>
      %reduce_max3A_306 = arith.constant dense<0xFF800000> : vector<1xf32>
      %reduce_max3A_307 = vector.multi_reduction <maximumf>, %reduce_max3A, %reduce_max3A_306 [1, 2] : vector<1x256x128xf32> to vector<1xf32>
      %reduce_max3A_308 = vector.shape_cast %reduce_max3A_307 : vector<1xf32> to vector<1x1x1xf32>
      %reduce_max3A_309 = vector.extract %reduce_max3A_308[0, 0, 0] : f32 from vector<1x1x1xf32>
      %eq3A_310 = vector.broadcast %reduce_max3A_309 : f32 to vector<256x128xf32>
      %eq3A_311 = arith.cmpf oeq, %select_n3A_301, %eq3A_310 : vector<256x128xf32>
      %broadcast_in_dim3A_312 = vector.broadcast %scan3A : i32 to vector<256x128xi32>
      %select_n3A_313 = arith.select %eq3A_311, %add3A_58, %broadcast_in_dim3A_312 : vector<256x128xi1>, vector<256x128xi32>
      %reduce_min3A = vector.shape_cast %select_n3A_313 : vector<256x128xi32> to vector<1x256x128xi32>
      %reduce_min3A_314 = arith.constant dense<2147483647> : vector<1xi32>
      %reduce_min3A_315 = vector.multi_reduction <minsi>, %reduce_min3A, %reduce_min3A_314 [1, 2] : vector<1x256x128xi32> to vector<1xi32>
      %reduce_min3A_316 = vector.shape_cast %reduce_min3A_315 : vector<1xi32> to vector<1x1x1xi32>
      %reduce_min3A_317 = vector.extract %reduce_min3A_316[0, 0, 0] : i32 from vector<1x1x1xi32>
      %eq3A_318 = vector.broadcast %reduce_min3A_317 : i32 to vector<256x128xi32>
      %eq3A_319 = arith.cmpi eq, %add3A_58, %eq3A_318 : vector<256x128xi32>
      %broadcast_in_dim3A_320 = vector.broadcast %scan3A_253 : i32 to vector<256x128xi32>
      %select_n3A_321 = arith.select %eq3A_319, %broadcast_in_dim3A_320, %scan3A_256 : vector<256x128xi1>, vector<256x128xi32>
      scf.yield %max3A_305, %select_n3A_304, %select_n3A_321 : vector<256x128xf32>, vector<256x128xi32>, vector<256x128xi32>
    }
    %scan3A_71 = arith.constant 100 : i32
    %broadcast_in_dim3A_72 = arith.constant -1 : i32
    %broadcast_in_dim3A_73 = vector.broadcast %broadcast_in_dim3A_72 : i32 to vector<256x128xi32>
    %ge3A = arith.constant 4.000000e-01 : f32
    %ge3A_74 = vector.broadcast %ge3A : f32 to vector<256x128xf32>
    %ge3A_75 = arith.cmpf oge, %scan3A_70#0, %ge3A_74 : vector<256x128xf32>
    %select_n3A = arith.select %ge3A_75, %scan3A_70#1, %broadcast_in_dim3A_73 : vector<256x128xi1>, vector<256x128xi32>
    %ge3A_76 = arith.constant 0 : i32
    %ge3A_77 = vector.broadcast %ge3A_76 : i32 to vector<256x128xi32>
    %ge3A_78 = arith.cmpi sge, %scan3A_70#2, %ge3A_77 : vector<256x128xi32>
    %select_n3A_79 = arith.select %ge3A_78, %scan3A_70#2, %select_n3A : vector<256x128xi1>, vector<256x128xi32>
    %lt3A_80 = arith.constant 1.000000e-01 : f32
    %lt3A_81 = vector.broadcast %lt3A_80 : f32 to vector<256x128xf32>
    %lt3A_82 = arith.cmpf olt, %scan3A_70#0, %lt3A_81 : vector<256x128xf32>
    %jit3A_83 = arith.constant -2 : i32
    %broadcast_in_dim3A_84 = vector.broadcast %jit3A_83 : i32 to vector<256x128xi32>
    %select_n3A_85 = arith.select %lt3A_82, %broadcast_in_dim3A_84, %select_n3A_79 : vector<256x128xi1>, vector<256x128xi32>
    %ge3A_86 = arith.constant 0 : i32
    %ge3A_87 = vector.broadcast %ge3A_86 : i32 to vector<256x128xi32>
    %ge3A_88 = arith.cmpi sge, %select_n3A_85, %ge3A_87 : vector<256x128xi32>
    %and3A = arith.andi %ge3A_88, %lt3A_60 : vector<256x128xi1>
    %eq3A = arith.constant -2 : i32
    %eq3A_89 = vector.broadcast %eq3A : i32 to vector<256x128xi32>
    %eq3A_90 = arith.cmpi eq, %select_n3A_85, %eq3A_89 : vector<256x128xi32>
    %and3A_91 = arith.andi %eq3A_90, %lt3A_60 : vector<256x128xi1>
    %jit3A_92 = arith.constant 1.000000e+00 : f32
    %jit3A_93 = arith.constant 0.000000e+00 : f32
    %broadcast_in_dim3A_94 = vector.broadcast %jit3A_92 : f32 to vector<256x128xf32>
    %broadcast_in_dim3A_95 = vector.broadcast %jit3A_93 : f32 to vector<256x128xf32>
    %select_n3A_96 = arith.select %and3A, %broadcast_in_dim3A_94, %broadcast_in_dim3A_95 : vector<256x128xi1>, vector<256x128xf32>
    %jit3A_97 = arith.constant 1.000000e+00 : f32
    %jit3A_98 = arith.constant 0.000000e+00 : f32
    %broadcast_in_dim3A_99 = vector.broadcast %jit3A_97 : f32 to vector<256x128xf32>
    %broadcast_in_dim3A_100 = vector.broadcast %jit3A_98 : f32 to vector<256x128xf32>
    %select_n3A_101 = arith.select %and3A_91, %broadcast_in_dim3A_99, %broadcast_in_dim3A_100 : vector<256x128xi1>, vector<256x128xf32>
    %reduce_sum3A = vector.shape_cast %select_n3A_96 : vector<256x128xf32> to vector<1x256x128xf32>
    %reduce_sum3A_102 = arith.constant dense<0.000000e+00> : vector<1xf32>
    %reduce_sum3A_103 = vector.multi_reduction <add>, %reduce_sum3A, %reduce_sum3A_102 [1, 2] : vector<1x256x128xf32> to vector<1xf32>
    %reduce_sum3A_104 = vector.shape_cast %reduce_sum3A_103 : vector<1xf32> to vector<1x1x1xf32>
    %reduce_sum3A_105 = vector.extract %reduce_sum3A_104[0, 0, 0] : f32 from vector<1x1x1xf32>
    %swap3A = arith.constant 0 : index
    %swap3A_106 = arith.constant 0 : index
    %swap3A_107 = memref.load %arg10[%swap3A, %swap3A_106] : memref<1x1xf32, #tpu.memory_space<smem>>
    memref.store %reduce_sum3A_105, %arg10[%swap3A, %swap3A_106] : memref<1x1xf32, #tpu.memory_space<smem>>
    %reduce_sum3A_108 = vector.shape_cast %select_n3A_101 : vector<256x128xf32> to vector<1x256x128xf32>
    %reduce_sum3A_109 = arith.constant dense<0.000000e+00> : vector<1xf32>
    %reduce_sum3A_110 = vector.multi_reduction <add>, %reduce_sum3A_108, %reduce_sum3A_109 [1, 2] : vector<1x256x128xf32> to vector<1xf32>
    %reduce_sum3A_111 = vector.shape_cast %reduce_sum3A_110 : vector<1xf32> to vector<1x1x1xf32>
    %reduce_sum3A_112 = vector.extract %reduce_sum3A_111[0, 0, 0] : f32 from vector<1x1x1xf32>
    %swap3A_113 = arith.constant 0 : index
    %swap3A_114 = arith.constant 0 : index
    %swap3A_115 = memref.load %arg11[%swap3A_113, %swap3A_114] : memref<1x1xf32, #tpu.memory_space<smem>>
    memref.store %reduce_sum3A_112, %arg11[%swap3A_113, %swap3A_114] : memref<1x1xf32, #tpu.memory_space<smem>>
    %get3A_116 = arith.constant 0 : index
    %get3A_117 = arith.constant 0 : index
    %get3A_118 = vector.load %arg8[%get3A_116, %get3A_117] : memref<256x128xf32, #tpu.memory_space<vmem>>, vector<256x128xf32>
    %abs3A = math.absf %get3A_118 : vector<256x128xf32>
    %neg3A = arith.constant 0.000000e+00 : f32
    %neg3A_119 = vector.broadcast %neg3A : f32 to vector<256x128xf32>
    %neg3A_120 = arith.subf %neg3A_119, %abs3A : vector<256x128xf32>
    %exp3A = math.exp %neg3A_120 : vector<256x128xf32>
    %log1p3A = math.log1p %exp3A : vector<256x128xf32>
    %max3A_121 = arith.constant 0.000000e+00 : f32
    %max3A_122 = vector.broadcast %max3A_121 : f32 to vector<256x128xf32>
    %max3A_123 = arith.maximumf %get3A_118, %max3A_122 : vector<256x128xf32>
    %sub3A_124 = arith.subf %max3A_123, %get3A_118 : vector<256x128xf32>
    %add3A_125 = arith.addf %sub3A_124, %log1p3A : vector<256x128xf32>
    %jit3A_126 = arith.constant 0.000000e+00 : f32
    %broadcast_in_dim3A_127 = vector.broadcast %jit3A_126 : f32 to vector<256x128xf32>
    %select_n3A_128 = arith.select %and3A, %add3A_125, %broadcast_in_dim3A_127 : vector<256x128xi1>, vector<256x128xf32>
    %reduce_sum3A_129 = vector.shape_cast %select_n3A_128 : vector<256x128xf32> to vector<1x256x128xf32>
    %reduce_sum3A_130 = arith.constant dense<0.000000e+00> : vector<1xf32>
    %reduce_sum3A_131 = vector.multi_reduction <add>, %reduce_sum3A_129, %reduce_sum3A_130 [1, 2] : vector<1x256x128xf32> to vector<1xf32>
    %reduce_sum3A_132 = vector.shape_cast %reduce_sum3A_131 : vector<1xf32> to vector<1x1x1xf32>
    %reduce_sum3A_133 = vector.extract %reduce_sum3A_132[0, 0, 0] : f32 from vector<1x1x1xf32>
    %swap3A_134 = arith.constant 0 : index
    %swap3A_135 = arith.constant 0 : index
    %swap3A_136 = memref.load %arg12[%swap3A_134, %swap3A_135] : memref<1x1xf32, #tpu.memory_space<smem>>
    memref.store %reduce_sum3A_133, %arg12[%swap3A_134, %swap3A_135] : memref<1x1xf32, #tpu.memory_space<smem>>
    %max3A_137 = arith.constant 0.000000e+00 : f32
    %max3A_138 = vector.broadcast %max3A_137 : f32 to vector<256x128xf32>
    %max3A_139 = arith.maximumf %get3A_118, %max3A_138 : vector<256x128xf32>
    %add3A_140 = arith.addf %max3A_139, %log1p3A : vector<256x128xf32>
    %jit3A_141 = arith.constant 0.000000e+00 : f32
    %broadcast_in_dim3A_142 = vector.broadcast %jit3A_141 : f32 to vector<256x128xf32>
    %select_n3A_143 = arith.select %and3A_91, %add3A_140, %broadcast_in_dim3A_142 : vector<256x128xi1>, vector<256x128xf32>
    %swap3A_144 = arith.constant 0 : index
    %swap3A_145 = arith.constant 0 : index
    %swap3A_146 = vector.load %arg14[%swap3A_144, %swap3A_145] : memref<256x128xf32, #tpu.memory_space<vmem>>, vector<256x128xf32>
    tpu.vector_store %arg14[%swap3A_144, %swap3A_145], %select_n3A_143 {strides = array<i32>} : memref<256x128xf32, #tpu.memory_space<vmem>>, vector<256x128xf32>,
    %iota3A_147 = tpu.iota {dimensions = array<i32: 0>} : vector<128x128xi32>
    %iota3A_148 = tpu.iota {dimensions = array<i32: 1>} : vector<128x128xi32>
    %le3A = arith.cmpi sle, %iota3A_147, %iota3A_148 : vector<128x128xi32>
    %convert_element_type3A = arith.extui %le3A : vector<128x128xi1> to vector<128x128xi32>
    %convert_element_type3A_149 = arith.sitofp %convert_element_type3A : vector<128x128xi32> to vector<128x128xf32>
    %dot_general3A = arith.constant dense<0.000000e+00> : vector<256x128xf32>
    %dot_general3A_150 = tpu.matmul %select_n3A_101, %convert_element_type3A_149, %dot_general3A {dimension_numbers = #tpu.dot_dimension_numbers<[1], [0], [0], [1], [0, 0, 1, 1], [], []>, transpose_lhs_hint = false} : vector<256x128xf32>, vector<128x128xf32>, vector<256x128xf32> -> vector<256x128xf32>
    %slice3A = vector.extract_strided_slice %dot_general3A_150 {offsets = [0, 127], sizes = [256, 1], strides = [1, 1]} : vector<256x128xf32> to vector<256x1xf32>
    %iota3A_151 = tpu.iota {dimensions = array<i32: 0>} : vector<256x256xi32>
    %iota3A_152 = tpu.iota {dimensions = array<i32: 1>} : vector<256x256xi32>
    %gt3A = arith.cmpi sgt, %iota3A_151, %iota3A_152 : vector<256x256xi32>
    %convert_element_type3A_153 = arith.extui %gt3A : vector<256x256xi1> to vector<256x256xi32>
    %convert_element_type3A_154 = arith.sitofp %convert_element_type3A_153 : vector<256x256xi32> to vector<256x256xf32>
    %broadcast_in_dim3A_155 = vector.shape_cast %slice3A : vector<256x1xf32> to vector<256x1xf32>
    %broadcast_in_dim3A_156 = vector.broadcast %broadcast_in_dim3A_155 : vector<256x1xf32> to vector<256x128xf32>
    %dot_general3A_157 = arith.constant dense<0.000000e+00> : vector<256x128xf32>
    %dot_general3A_158 = tpu.matmul %convert_element_type3A_154, %broadcast_in_dim3A_156, %dot_general3A_157 {dimension_numbers = #tpu.dot_dimension_numbers<[1], [0], [0], [1], [0, 0, 1, 1], [], []>, transpose_lhs_hint = false} : vector<256x256xf32>, vector<256x128xf32>, vector<256x128xf32> -> vector<256x128xf32>
    %add3A_159 = arith.addf %dot_general3A_150, %dot_general3A_158 : vector<256x128xf32>
    %sub3A_160 = arith.constant 1.000000e+00 : f32
    %sub3A_161 = vector.broadcast %sub3A_160 : f32 to vector<256x128xf32>
    %sub3A_162 = arith.subf %add3A_159, %sub3A_161 : vector<256x128xf32>
    %max3A_163 = arith.constant 0.000000e+00 : f32
    %max3A_164 = vector.broadcast %max3A_163 : f32 to vector<256x128xf32>
    %max3A_165 = arith.maximumf %sub3A_162, %max3A_164 : vector<256x128xf32>
    %convert_element_type3A_166 = arith.fptosi %max3A_165 : vector<256x128xf32> to vector<256x128xi32>
    %swap3A_167 = arith.constant 0 : index
    %swap3A_168 = arith.constant 0 : index
    %swap3A_169 = vector.load %arg15[%swap3A_167, %swap3A_168] : memref<256x128xi32, #tpu.memory_space<vmem>>, vector<256x128xi32>
    tpu.vector_store %arg15[%swap3A_167, %swap3A_168], %convert_element_type3A_166 {strides = array<i32>} : memref<256x128xi32, #tpu.memory_space<vmem>>, vector<256x128xi32>,
    %broadcast_in_dim3A_170 = arith.constant 0.000000e+00 : f32
    %broadcast_in_dim3A_171 = vector.broadcast %broadcast_in_dim3A_170 : f32 to vector<256x128xf32>
    %scan3A_172 = arith.constant 0 : i32
    %scan3A_173 = arith.constant 100 : i32
    %scan3A_174 = arith.addi %scan3A_172, %scan3A_173 : i32
    %scan3A_175 = arith.constant 1 : i32
    %scan3A_176:4 = scf.for %scan3A_253 = %scan3A_172 to %scan3A_174 step %scan3A_175 iter_args(%scan3A_254 = %broadcast_in_dim3A_171, %scan3A_255 = %broadcast_in_dim3A_171, %scan3A_256 = %broadcast_in_dim3A_171, %scan3A_257 = %broadcast_in_dim3A_171) -> (vector<256x128xf32>, vector<256x128xf32>, vector<256x128xf32>, vector<256x128xf32>)  : i32 {
      %eq3A_258 = vector.broadcast %scan3A_253 : i32 to vector<256x128xi32>
      %eq3A_259 = arith.cmpi eq, %select_n3A_85, %eq3A_258 : vector<256x128xi32>
      %get3A_260 = arith.index_cast %scan3A_253 : i32 to index
      %get3A_261 = arith.constant 0 : index
      %get3A_262 = memref.load %arg9[%get3A_260, %get3A_261] : memref<100x4xf32, #tpu.memory_space<smem>>
      %broadcast_in_dim3A_263 = vector.broadcast %get3A_262 : f32 to vector<256x128xf32>
      %select_n3A_264 = arith.select %eq3A_259, %broadcast_in_dim3A_263, %scan3A_254 : vector<256x128xi1>, vector<256x128xf32>
      %get3A_265 = arith.index_cast %scan3A_253 : i32 to index
      %get3A_266 = arith.constant 1 : index
      %get3A_267 = memref.load %arg9[%get3A_265, %get3A_266] : memref<100x4xf32, #tpu.memory_space<smem>>
      %broadcast_in_dim3A_268 = vector.broadcast %get3A_267 : f32 to vector<256x128xf32>
      %select_n3A_269 = arith.select %eq3A_259, %broadcast_in_dim3A_268, %scan3A_255 : vector<256x128xi1>, vector<256x128xf32>
      %get3A_270 = arith.index_cast %scan3A_253 : i32 to index
      %get3A_271 = arith.constant 2 : index
      %get3A_272 = memref.load %arg9[%get3A_270, %get3A_271] : memref<100x4xf32, #tpu.memory_space<smem>>
      %broadcast_in_dim3A_273 = vector.broadcast %get3A_272 : f32 to vector<256x128xf32>
      %select_n3A_274 = arith.select %eq3A_259, %broadcast_in_dim3A_273, %scan3A_256 : vector<256x128xi1>, vector<256x128xf32>
      %get3A_275 = arith.index_cast %scan3A_253 : i32 to index
      %get3A_276 = arith.constant 3 : index
      %get3A_277 = memref.load %arg9[%get3A_275, %get3A_276] : memref<100x4xf32, #tpu.memory_space<smem>>
      %broadcast_in_dim3A_278 = vector.broadcast %get3A_277 : f32 to vector<256x128xf32>
      %select_n3A_279 = arith.select %eq3A_259, %broadcast_in_dim3A_278, %scan3A_257 : vector<256x128xi1>, vector<256x128xf32>
      scf.yield %select_n3A_264, %select_n3A_269, %select_n3A_274, %select_n3A_279 : vector<256x128xf32>, vector<256x128xf32>, vector<256x128xf32>, vector<256x128xf32>
    }
    %scan3A_177 = arith.constant 100 : i32
    %sub3A_178 = arith.subf %min3A_7, %scan3A_176#0 : vector<256x128xf32>
    %jit3A_179 = arith.constant 0.000000e+00 : f32
    %broadcast_in_dim3A_180 = vector.broadcast %jit3A_179 : f32 to vector<256x128xf32>
    %select_n3A_181 = arith.select %and3A, %sub3A_178, %broadcast_in_dim3A_180 : vector<256x128xi1>, vector<256x128xf32>
    %sub3A_182 = arith.subf %min3A_20, %scan3A_176#1 : vector<256x128xf32>
    %jit3A_183 = arith.constant 0.000000e+00 : f32
    %broadcast_in_dim3A_184 = vector.broadcast %jit3A_183 : f32 to vector<256x128xf32>
    %select_n3A_185 = arith.select %and3A, %sub3A_182, %broadcast_in_dim3A_184 : vector<256x128xi1>, vector<256x128xf32>
    %sub3A_186 = arith.subf %min3A_33, %scan3A_176#2 : vector<256x128xf32>
    %jit3A_187 = arith.constant 0.000000e+00 : f32
    %broadcast_in_dim3A_188 = vector.broadcast %jit3A_187 : f32 to vector<256x128xf32>
    %select_n3A_189 = arith.select %and3A, %sub3A_186, %broadcast_in_dim3A_188 : vector<256x128xi1>, vector<256x128xf32>
    %sub3A_190 = arith.subf %min3A_46, %scan3A_176#3 : vector<256x128xf32>
    %jit3A_191 = arith.constant 0.000000e+00 : f32
    %broadcast_in_dim3A_192 = vector.broadcast %jit3A_191 : f32 to vector<256x128xf32>
    %select_n3A_193 = arith.select %and3A, %sub3A_190, %broadcast_in_dim3A_192 : vector<256x128xi1>, vector<256x128xf32>
    %abs3A_194 = math.absf %select_n3A_181 : vector<256x128xf32>
    %lt3A_195 = arith.constant 0.00999999977 : f32
    %lt3A_196 = vector.broadcast %lt3A_195 : f32 to vector<256x128xf32>
    %lt3A_197 = arith.cmpf olt, %abs3A_194, %lt3A_196 : vector<256x128xf32>
    %mul3A_198 = arith.constant 5.000000e+01 : f32
    %mul3A_199 = vector.broadcast %mul3A_198 : f32 to vector<256x128xf32>
    %mul3A_200 = arith.mulf %mul3A_199, %select_n3A_181 : vector<256x128xf32>
    %mul3A_201 = arith.mulf %mul3A_200, %select_n3A_181 : vector<256x128xf32>
    %sub3A_202 = arith.constant 5.000000e-03 : f32
    %sub3A_203 = vector.broadcast %sub3A_202 : f32 to vector<256x128xf32>
    %sub3A_204 = arith.subf %abs3A_194, %sub3A_203 : vector<256x128xf32>
    %select_n3A_205 = arith.select %lt3A_197, %mul3A_201, %sub3A_204 : vector<256x128xi1>, vector<256x128xf32>
    %abs3A_206 = math.absf %select_n3A_185 : vector<256x128xf32>
    %lt3A_207 = arith.constant 0.00999999977 : f32
    %lt3A_208 = vector.broadcast %lt3A_207 : f32 to vector<256x128xf32>
    %lt3A_209 = arith.cmpf olt, %abs3A_206, %lt3A_208 : vector<256x128xf32>
    %mul3A_210 = arith.constant 5.000000e+01 : f32
    %mul3A_211 = vector.broadcast %mul3A_210 : f32 to vector<256x128xf32>
    %mul3A_212 = arith.mulf %mul3A_211, %select_n3A_185 : vector<256x128xf32>
    %mul3A_213 = arith.mulf %mul3A_212, %select_n3A_185 : vector<256x128xf32>
    %sub3A_214 = arith.constant 5.000000e-03 : f32
    %sub3A_215 = vector.broadcast %sub3A_214 : f32 to vector<256x128xf32>
    %sub3A_216 = arith.subf %abs3A_206, %sub3A_215 : vector<256x128xf32>
    %select_n3A_217 = arith.select %lt3A_209, %mul3A_213, %sub3A_216 : vector<256x128xi1>, vector<256x128xf32>
    %add3A_218 = arith.addf %select_n3A_205, %select_n3A_217 : vector<256x128xf32>
    %abs3A_219 = math.absf %select_n3A_189 : vector<256x128xf32>
    %lt3A_220 = arith.constant 0.00999999977 : f32
    %lt3A_221 = vector.broadcast %lt3A_220 : f32 to vector<256x128xf32>
    %lt3A_222 = arith.cmpf olt, %abs3A_219, %lt3A_221 : vector<256x128xf32>
    %mul3A_223 = arith.constant 5.000000e+01 : f32
    %mul3A_224 = vector.broadcast %mul3A_223 : f32 to vector<256x128xf32>
    %mul3A_225 = arith.mulf %mul3A_224, %select_n3A_189 : vector<256x128xf32>
    %mul3A_226 = arith.mulf %mul3A_225, %select_n3A_189 : vector<256x128xf32>
    %sub3A_227 = arith.constant 5.000000e-03 : f32
    %sub3A_228 = vector.broadcast %sub3A_227 : f32 to vector<256x128xf32>
    %sub3A_229 = arith.subf %abs3A_219, %sub3A_228 : vector<256x128xf32>
    %select_n3A_230 = arith.select %lt3A_222, %mul3A_226, %sub3A_229 : vector<256x128xi1>, vector<256x128xf32>
    %add3A_231 = arith.addf %add3A_218, %select_n3A_230 : vector<256x128xf32>
    %abs3A_232 = math.absf %select_n3A_193 : vector<256x128xf32>
    %lt3A_233 = arith.constant 0.00999999977 : f32
    %lt3A_234 = vector.broadcast %lt3A_233 : f32 to vector<256x128xf32>
    %lt3A_235 = arith.cmpf olt, %abs3A_232, %lt3A_234 : vector<256x128xf32>
    %mul3A_236 = arith.constant 5.000000e+01 : f32
    %mul3A_237 = vector.broadcast %mul3A_236 : f32 to vector<256x128xf32>
    %mul3A_238 = arith.mulf %mul3A_237, %select_n3A_193 : vector<256x128xf32>
    %mul3A_239 = arith.mulf %mul3A_238, %select_n3A_193 : vector<256x128xf32>
    %sub3A_240 = arith.constant 5.000000e-03 : f32
    %sub3A_241 = vector.broadcast %sub3A_240 : f32 to vector<256x128xf32>
    %sub3A_242 = arith.subf %abs3A_232, %sub3A_241 : vector<256x128xf32>
    %select_n3A_243 = arith.select %lt3A_235, %mul3A_239, %sub3A_242 : vector<256x128xi1>, vector<256x128xf32>
    %add3A_244 = arith.addf %add3A_231, %select_n3A_243 : vector<256x128xf32>
    %reduce_sum3A_245 = vector.shape_cast %add3A_244 : vector<256x128xf32> to vector<1x256x128xf32>
    %reduce_sum3A_246 = arith.constant dense<0.000000e+00> : vector<1xf32>
    %reduce_sum3A_247 = vector.multi_reduction <add>, %reduce_sum3A_245, %reduce_sum3A_246 [1, 2] : vector<1x256x128xf32> to vector<1xf32>
    %reduce_sum3A_248 = vector.shape_cast %reduce_sum3A_247 : vector<1xf32> to vector<1x1x1xf32>
    %reduce_sum3A_249 = vector.extract %reduce_sum3A_248[0, 0, 0] : f32 from vector<1x1x1xf32>
    %swap3A_250 = arith.constant 0 : index
    %swap3A_251 = arith.constant 0 : index
    %swap3A_252 = memref.load %arg13[%swap3A_250, %swap3A_251] : memref<1x1xf32, #tpu.memory_space<smem>>
    memref.store %reduce_sum3A_249, %arg13[%swap3A_250, %swap3A_251] : memref<1x1xf32, #tpu.memory_space<smem>>
    return
  }
}

</mosaic_0001>

<sc_bundles>
// kernel: kernel.4.cloned.1.call-start
scs
__scs_entry_jumppad:
0x0: {  	(pc) =	sbr.rel $0x88, $3  }
0x1: {  	(tag) =	ssettag $0x0;
	lr =	simm.s32 $0x1  }
0x2: {  	[smem:$0x3F9E] =	sst lr;
	_ =	strace $0xD0000000  }
0x3: {  	_ = 	snop  }
0x4: {  	_ = 	snop  }
0x5: {  	_ = 	snop  }
0x6: {  	_ = 	snop  }
0x7: {  	_ = 	snop  }
__scs_overlays_trampoline_lowered:
0x8: {  	[smem:$0x3FAD] =	sst s0  }
0x9: {  	[smem:$0x3FAE] =	sst s1  }
0xa: {  	[smem:$0x3FAF] =	sst s2  }
0xb: {  	[smem:$0x3FB0] =	sst s3  }
0xc: {  	[smem:$0x3FB1] =	sst s4  }
0xd: {  	[smem:$0x3FB2] =	sst s5  }
0xe: {  	[smem:$0x3FB3] =	sst s6  }
0xf: {  	[smem:$0x3FB4] =	sst s7  }
0x10: {  	[smem:$0x3FB5] =	sst s8  }
0x11: {  	[smem:$0x3FB6] =	sst s9;
	s0 =	simm.s32 @!p0 $0x0  }
0x12: {  	s1 =	sld [smem:$0x3F9C];
	s0 =	simm.s32 @p0 $0x1  }
0x13: {  	[smem:$0x3FB7] =	sst s0;
	s0 =	simm.s32 @!p1 $0x0  }
0x14: {  	s2 =	sld [smem:$0x3F9B];
	s0 =	simm.s32 @p1 $0x1  }
0x15: {  	[smem:$0x3FB8] =	sst s0;
	s0 =	simm.s32 @!p2 $0x0  }
0x16: {  	s3 =	sld [smem:$0x3FDB];
	s0 =	simm.s32 @p2 $0x1  }
0x17: {  	s4 =	simm.s32 $0x1BF5;
	[smem:$0x3FBA] =	sst s0  }
0x18: {  	s0 =	sld [smem:$0x3F9D];
	_ =	swait.ge [sflag:s4], $0x0  }
0x19: {  	s7 =	sld [smem:$0x3F9E]  }
0x1a: {  	s8 =	sadd.s32 $0xFFFFE003, lr  }
0x1b: {  	s9 =	sadd.s32 $0xFFFFFEF7, lr;
	s5 =	simm.s32 $0xFFFFFFFF;
	p2 =	slt.u32 s8, $0xFFFFF086  }
0x1c: {  	p1 =	slt.u32 s9, $0xF7A;
	s5 =	simm.s32 @!p2 $0x0  }
0x1d: {  	s5 =	simm.s32 @p1 $0x1;
	p0 =	seq.s32 s7, s2  }
0x1e: {  	s7 =	smul.u32 @!p0 $0xF7A, s2;
	p2 =	seq.s32 @!p0 s5, $0x0  }
0x1f: {  	s9 =	smul.u32 $0xF7A, s1;
	s8 =	simm.s32 @!p0 $0x1BF5;
	p2 =	por !p2, p0  }
0x20: {  	[sflag:s8] =	ssyncset.s32 @!p0 $0xFFFFF086;
	s6 =	sadd.s32 @!p0 s3, s7;
	s7 =	simm.s32 @!p0 $0x108  }
0x21: {  	s3 =	sadd.s32 s3, s9;
	s6 =	sadd.s32 @!p0 $0x88, s6;
	s7 =	simm.s32 @p2 $0x1082  }
0x22: {  	[simem:s7], [sflag:s8] =	dma.local @!p0 [hbm:s6], $0xF7A  }
0x23: {  	s9 =	sor.u32 $0xD0000000, s2;
	s6 =	simm.s32 $0x108;
	_ =	swait.ge @!p0 [sflag:s8], $0x0  }
0x24: {  	s3 =	sadd.s32 $0x88, s3;
	s6 =	simm.s32 @!p1 $0x1082;
	[sflag:s4] =	ssyncset.s32 $0xFFFFF086  }
0x25: {  	[simem:s6], [sflag:s4] =	dma.local [hbm:s3], $0xF7A  }
0x26: {  	[smem:$0x3F9E] =	sst s1;
	(tag) =	ssettag s2;
	_ =	strace s9  }
0x27: {  	s1 =	sld [smem:$0x3FAE]  }
0x28: {  	s2 =	sld [smem:$0x3FAF]  }
0x29: {  	s4 =	sld [smem:$0x3FB1]  }
0x2a: {  	p0 =	seq.s32 s5, $0x0;
	s5 =	sld [smem:$0x3FB2]  }
0x2b: {  	s6 =	sld [smem:$0x3FB3]  }
0x2c: {  	s7 =	sld [smem:$0x3FB4]  }
0x2d: {  	s3 =	simm.s32 $0x108;
	s8 =	sld [smem:$0x3FB5]  }
0x2e: {  	s3 =	simm.s32 @!p0 $0x1082;
	s9 =	sld [smem:$0x3FB6]  }
0x2f: {  	lr =	sadd.s32 s0, s3;
	s0 =	sld [smem:$0x3FAD]  }
0x30: {  	s3 =	sld [smem:$0x3FB0]  }
0x31: {  	[smem:$0x3FB9] =	sst s10  }
0x32: {  	s10 =	sld [smem:$0x3FB7];
	_ =	sdelay $0x3  }
0x33: {  	p0 =	seq.s32 s10, $0x1;
	s10 =	sld [smem:$0x3FB9];
	_ =	sdelay $0x3  }
0x34: {  	[smem:$0x3FB9] =	sst s10  }
0x35: {  	s10 =	sld [smem:$0x3FB8];
	_ =	sdelay $0x3  }
0x36: {  	p1 =	seq.s32 s10, $0x1;
	s10 =	sld [smem:$0x3FB9];
	_ =	sdelay $0x3  }
0x37: {  	[smem:$0x3FB9] =	sst s10  }
0x38: {  	s10 =	sld [smem:$0x3FBA]  }
0x39: {  	_ = 	snop;
	(pc) =	sbr.ind lr, $3  }
0x3a: {  	_ = 	snop  }
0x3b: {  	_ = 	snop  }
0x3c: {  	p2 =	seq.s32 s10, $0x1;
	s10 =	sld [smem:$0x3FB9]  }
0x3d: {  	_ =	shalt  }
0x3e: {  	_ =	shalt  }
0x3f: {  	_ =	shalt  }
0x40: {  	_ =	shalt  }
0x41: {  	_ =	shalt  }
0x42: {  	_ =	shalt  }
0x43: {  	_ =	shalt  }
0x44: {  	_ =	shalt  }
0x45: {  	_ =	shalt  }
0x46: {  	_ =	shalt  }
0x47: {  	_ =	shalt  }
0x48: {  	_ =	shalt  }
0x49: {  	_ =	shalt  }
0x4a: {  	_ =	shalt  }
0x4b: {  	_ =	shalt  }
0x4c: {  	_ =	shalt  }
0x4d: {  	_ =	shalt  }
0x4e: {  	_ =	shalt  }
0x4f: {  	_ =	shalt  }
0x50: {  	_ =	shalt  }
0x51: {  	_ =	shalt  }
0x52: {  	_ =	shalt  }
0x53: {  	_ =	shalt  }
0x54: {  	_ =	shalt  }
0x55: {  	_ =	shalt  }
0x56: {  	_ =	shalt  }
0x57: {  	_ =	shalt  }
0x58: {  	_ =	shalt  }
0x59: {  	_ =	shalt  }
0x5a: {  	_ =	shalt  }
0x5b: {  	_ =	shalt  }
0x5c: {  	_ =	shalt  }
0x5d: {  	_ =	shalt  }
0x5e: {  	_ =	shalt  }
0x5f: {  	_ =	shalt  }
0x60: {  	_ =	shalt  }
0x61: {  	_ =	shalt  }
0x62: {  	_ =	shalt  }
0x63: {  	_ =	shalt  }
0x64: {  	_ =	shalt  }
0x65: {  	_ =	shalt  }
0x66: {  	_ =	shalt  }
0x67: {  	_ =	shalt  }
0x68: {  	_ =	shalt  }
0x69: {  	_ =	shalt  }
0x6a: {  	_ =	shalt  }
0x6b: {  	_ =	shalt  }
0x6c: {  	_ =	shalt  }
0x6d: {  	_ =	shalt  }
0x6e: {  	_ =	shalt  }
0x6f: {  	_ =	shalt  }
0x70: {  	_ =	shalt  }
0x71: {  	_ =	shalt  }
0x72: {  	_ =	shalt  }
0x73: {  	_ =	shalt  }
0x74: {  	_ =	shalt  }
0x75: {  	_ =	shalt  }
0x76: {  	_ =	shalt  }
0x77: {  	_ =	shalt  }
0x78: {  	_ =	shalt  }
0x79: {  	_ =	shalt  }
0x7a: {  	_ =	shalt  }
0x7b: {  	_ =	shalt  }
0x7c: {  	_ =	shalt  }
0x7d: {  	_ =	shalt  }
0x7e: {  	_ =	shalt  }
0x7f: {  	_ =	shalt  }
0x80: {  	_ =	shalt  }
0x81: {  	_ =	shalt  }
0x82: {  	_ =	shalt  }
0x83: {  	_ =	shalt  }
0x84: {  	_ =	shalt  }
0x85: {  	_ =	shalt  }
0x86: {  	_ =	shalt  }
0x87: {  	_ =	shalt  }
.Lfunc_end0:
.L_simem_size_0:
called_computation_lowered:
.L_overlay_start_0:
0x88: {  	s2 =	sld [smem:$0x3FD9]  }
0x89: {  	s3 =	sld [smem:$0x3FFE];
	_ =	sdelay $0x1  }
0x8a: {  	s1 =	srdreg.scid  }
0x8b: {  	s0 =	sand.u32 $0x1, s1  }
0x8c: {  	s16 =	sshll.u32 s0, $0xA;
	s2 =	sadd.s32 s3, s2  }
0x8d: {  	s2 =	sadd.s32 s2, s16  }
0x8e: {  	[smem:$0x3FC5] =	sst s2  }
0x8f: {  	_ = 	snop  }
0x90: {  	(tm) =	ssettm $0x1  }
0x91: {  	s17 =	sld [smem:$0x3FFB];
	_ =	sdelay $0x3  }
0x92: {  	_ =	strace s17  }
0x93: {  	s2 =	sld [smem:$0x3FFC];
	_ =	sdelay $0x3  }
0x94: {  	_ =	strace s2  }
0x95: {  	s2 =	sld [smem:$0x3FFD];
	_ =	sdelay $0x3  }
0x96: {  	_ =	strace s2  }
0x97: {  	_ =	strace $0x8FFFFFFF  }
0x98: {  	s18 =	sld [smem:$0x3FDB];
	_ =	sdelay $0x1  }
0x99: {  	s19 =	simm.s32 $_scs_section_size  }
0x9a: {  	s4 =	simm.s32 $_size__tile_overlayer_lowered;
	s5 =	simm.s32 $_tile_overlayer_lowered  }
0x9b: {  	s22 =	simm.s32 $0x1BFF;
	s21 =	sshll.u32 s5, $0x1;
	s2 =	sadd.s32 s19, s18  }
0x9c: {  	s6 =	simm.s32 $0x0;
	s20 =	sshll.u32 s4, $0x1;
	s4 =	sadd.s32 s21, s2  }
0x9d: {  	[timem:s6], [sflag:s22] =	dma.local [hbm:s4], s20  }
0x9e: {  	_ =	swait.ge [sflag:s22], s20  }
0x9f: {  	s3 =	ssub.s32 $0x0, s20;
	[sflag:s22] =	ssyncset.done $0x0  }
0xa0: {  	[sflag:s22] =	ssyncadd.s32 s3;
	_ =	sdelay $0x1  }
0xa1: {  	s23 =	simm.s32 $0x1B8B  }
0xa2: {  	_ =	swait.ge [sflag:s23], $0x1  }
0xa3: {  	[sflag:s23] =	ssyncset.done $0x0  }
0xa4: {  	s25 =	simm.s32 $0x1B8E;
	s24 =	sld [smem:$0x3FFE];
	[sflag:s23] =	ssyncadd.s32 $0xFFFFFFFF  }
0xa5: {  	s26 =	simm.s32 $execute0_lowered;
	[smem:$0x3FD2] =	sst s25  }
0xa6: {  	s4 =	sshll.u32 s26, $0x1;
	_ =	strace $0x80000046;
	[dreg:$0x1] =	wrdreg $0xFFFFFFFF  }
0xa7: {  	s28 =	simm.s32 $_size_execute0_lowered;
	s2 =	sadd.s32 s2, s4;
	[dreg:$0x0] =	wrdreg $0x0  }
0xa8: {  	s4 =	sshll.u32 s28, $0x1;
	[dreg:$0x2] =	wrdreg s2  }
0xa9: {  	[dreg:$0x3] =	wrdreg s4  }
0xaa: {  	[dreg:$0x4] =	wrdreg $0xC0  }
0xab: {  	_ =	task [dreg:s6], $0x5FFFF  }
0xac: {  	[dreg:$0x1] =	wrdreg $0xFFFFFFFF  }
0xad: {  	[dreg:$0x0] =	wrdreg $0x60  }
0xae: {  	[dreg:$0x2] =	wrdreg s24  }
0xaf: {  	[dreg:$0x3] =	wrdreg $0x9  }
0xb0: {  	_ =	task.clear_ibuf [dreg:s6], $0x4FFFF;
	_ =	strace $0x90000046  }
0xb1: {  	s29 =	simm.s32 $0x9;
	_ =	strace $0x80000048  }
0xb2: {  	_ =	swait.ge [sflag:s29], $0x1  }
0xb3: {  	[sflag:s29] =	ssyncadd.s32 $0xFFFFFFFF  }
0xb4: {  	_ =	strace $0x90000048  }
0xb5: {  	_ =	sfence  }
0xb6: {  	s30 =	sld [smem:$0x0];
	_ =	sdelay $0x2  }
0xb7: {  	s31 =	sshll.u32 s1, $0xD;
	s1 =	sshrl.u32 s1, $0x2  }
0xb8: {  	s3 =	sand.u32 $0x4000, s31;
	s1 =	sadd.s32 s1, s30  }
0xb9: {  	s0 =	sor.u32 s3, s0;
	s1 =	sshll.u32 s1, $0x11  }
0xba: {  	s0 =	sor.u32 s1, s0  }
0xbb: {  	s0 =	sadd.s32 $0x8F2B, s0  }
0xbc: {  	[sflag:s0] =	ssyncadd.remote.s32 $0x1  }
0xbd: {  	_ =	sfence.sel $0xFFFF  }
0xbe: {  	[dreg:$0x0] =	wrdreg $0xFFFFFFFF;
	(pc) =	sbr.abs _section_cstart, $3  }
0xbf: {  	[dreg:$0x1] =	wrdreg $0xFFFFFFFF  }
0xc0: {  	_ =	task.clear_ibuf [dreg:s6], $0x2FFFF;
	_ =	strace $0x9FFFFFFF  }
0xc1: {  	(tm) =	ssettm $0x7FFFFFFF  }
tec
execute0_lowered:
.L_overlay_start_1:
0x0: {  	(tag) =	ssettag $0x1  }
0x1: {  	s4 =	rddreg [dreg:$0x0]  }
0x2: {  	s0 =	rddreg [dreg:$0x1]  }
0x3: {  	s3 =	srdreg.scid;
	s2 =	simm.s32 $0x0;
	s1 =	stileid.u32  }
0x4: {  	s9 =	simm.s32 $0x8000;
	s10 =	simm.s32 $0x8400;
	s11 =	simm.s32 $0x8800  }
0x5: {  	s3 =	sand.u32 $0x1, s3;
	[smem:$0x7FF] =	sst s2;
	s5 =	sshll.u32 s1, $0x8  }
0x6: {  	s6 =	sshll.u32 s3, $0x7;
	_ =	strace $0x80000047;
	s7 =	ssub.s32 $0x2, s3  }
0x7: {  	s3 =	sadd.s32 $0x2400, s4;
	s5 =	sor.u32 s6, s5;
	s31 =	sshrl.u32 s7, $0x1  }
0x8: {  	s6 =	sadd.s32 s5, s4;
	s5 =	sshrl.u32 s5, $0x3;
	s7 =	ssub.s32 s7, s31  }
0x9: {  	s8 =	sadd.s32 s5, s4;
	s4 =	sadd.s32 $0x400, s6;
	s5 =	sadd.s32 $0x1400, s6  }
0xa: {  	s7 =	smax.u32 s7, $0x1;
	s6 =	sadd.s32 $0x3400, s8;
	s8 =	simm.s32 $0x1  }
.LBB2_1:
0xb: {  	[tilespmem:s2], [sflag:$0x1] =	stream.linear.gather [hbm4b:s3+s2], $0x8000, $0x38;
	[tilespmem:$0x8880] =	vst v63  }
0xc: {  	_ =	swait.ge [sflag:s8], $0x8000  }
0xd: {  	[sflag:s8] =	ssyncset.done $0x0  }
0xe: {  	[sflag:s8] =	ssyncadd.s32 $0xFFFF8000  }
0xf: {  	[tilespmem:s9], [sflag:$0x1] =	stream.linear.gather [hbm4b:s4+s2], $0x400, $0x38;
	[tilespmem:$0x8880] =	vst v63  }
0x10: {  	_ =	swait.ge [sflag:s8], $0x400  }
0x11: {  	[sflag:s8] =	ssyncset.done $0x0  }
0x12: {  	[sflag:s8] =	ssyncadd.s32 $0xFFFFFC00  }
0x13: {  	[tilespmem:s10], [sflag:$0x1] =	stream.linear.gather [hbm4b:s5+s2], $0x400, $0x38;
	[tilespmem:$0x8880] =	vst v63  }
0x14: {  	_ =	swait.ge [sflag:s8], $0x400  }
0x15: {  	[sflag:s8] =	ssyncset.done $0x0  }
0x16: {  	[sflag:s8] =	ssyncadd.s32 $0xFFFFFC00  }
0x17: {  	v0 =	vld [tilespmem:$0x8400]  }
0x18: {  	v1 =	vld [tilespmem:$0x8410]  }
0x19: {  	v2 =	vld [tilespmem:$0x8420]  }
0x1a: {  	v3 =	vld [tilespmem:$0x8430]  }
0x1b: {  	v4 =	vld [tilespmem:$0x8000]  }
0x1c: {  	v5 =	vld [tilespmem:$0x8440]  }
0x1d: {  	v6 =	vld [tilespmem:$0x8010]  }
0x1e: {  	v7 =	vld [tilespmem:$0x8450]  }
0x1f: {  	v8 =	vld [tilespmem:$0x8020]  }
0x20: {  	v9 =	vld [tilespmem:$0x8460]  }
0x21: {  	v10 =	vld [tilespmem:$0x8030]  }
0x22: {  	v11 =	vld [tilespmem:$0x8470]  }
0x23: {  	v12 =	vld [tilespmem:$0x8040]  }
0x24: {  	v13 =	vld [tilespmem:$0x8480]  }
0x25: {  	v14 =	vld [tilespmem:$0x8050]  }
0x26: {  	v15 =	vld [tilespmem:$0x8490]  }
0x27: {  	v16 =	vld [tilespmem:$0x8060]  }
0x28: {  	v17 =	vld [tilespmem:$0x84A0]  }
0x29: {  	v18 =	vld [tilespmem:$0x8070]  }
0x2a: {  	v19 =	vld [tilespmem:$0x84B0]  }
0x2b: {  	v20 =	vld [tilespmem:$0x8080]  }
0x2c: {  	v21 =	vld [tilespmem:$0x84C0]  }
0x2d: {  	v22 =	vld [tilespmem:$0x8090]  }
0x2e: {  	v23 =	vld [tilespmem:$0x84D0]  }
0x2f: {  	v24 =	vld [tilespmem:$0x80A0]  }
0x30: {  	v25 =	vld [tilespmem:$0x84E0]  }
0x31: {  	v26 =	vld [tilespmem:$0x80B0]  }
0x32: {  	v27 =	vld [tilespmem:$0x84F0]  }
0x33: {  	v28 =	vld [tilespmem:$0x80C0]  }
0x34: {  	v29 =	vld [tilespmem:$0x8500]  }
0x35: {  	v30 =	vld [tilespmem:$0x80D0]  }
0x36: {  	v31 =	vld [tilespmem:$0x8510]  }
0x37: {  	v32 =	vld [tilespmem:$0x80E0]  }
0x38: {  	v33 =	vld [tilespmem:$0x8520]  }
0x39: {  	v34 =	vld [tilespmem:$0x80F0]  }
0x3a: {  	v35 =	vld [tilespmem:$0x8530]  }
0x3b: {  	v36 =	vld [tilespmem:$0x8100]  }
0x3c: {  	v37 =	vld [tilespmem:$0x8540]  }
0x3d: {  	v38 =	vld [tilespmem:$0x8110]  }
0x3e: {  	v39 =	vld [tilespmem:$0x8550]  }
0x3f: {  	v40 =	vld [tilespmem:$0x8120]  }
0x40: {  	v41 =	vld [tilespmem:$0x8560]  }
0x41: {  	v42 =	vld [tilespmem:$0x8130]  }
0x42: {  	v43 =	vld [tilespmem:$0x8570]  }
0x43: {  	v44 =	vld [tilespmem:$0x8140]  }
0x44: {  	v45 =	vld [tilespmem:$0x8580]  }
0x45: {  	v46 =	vld [tilespmem:$0x8150]  }
0x46: {  	v52 =	vld [tilespmem:$0x8590]  }
0x47: {  	v47 =	vld [tilespmem:$0x8160]  }
0x48: {  	v53 =	vld [tilespmem:$0x85A0]  }
0x49: {  	v56 =	vld [tilespmem:$0x85B0]  }
0x4a: {  	v58 =	vld [tilespmem:$0x85C0]  }
0x4b: {  	v61 =	vld [tilespmem:$0x85D0]  }
0x4c: {  	v63 =	vld [tilespmem:$0x85E0]  }
0x4d: {  	v48 =	vld [tilespmem:$0x8600]  }
0x4e: {  	v51 =	vld [tilespmem:$0x8610]  }
0x4f: {  	v0 =	vld.idx.msk [tilespmem:v0+s2+$0x0], $0xffff  }
0x50: {  	v1 =	vld.idx.msk [tilespmem:v1+s2+$0x0], $0xffff  }
0x51: {  	v2 =	vld.idx.msk [tilespmem:v2+s2+$0x0], $0xffff  }
0x52: {  	v3 =	vld.idx.msk [tilespmem:v3+s2+$0x0], $0xffff  }
0x53: {  	v5 =	vld.idx.msk [tilespmem:v5+s2+$0x0], $0xffff  }
0x54: {  	v7 =	vld.idx.msk [tilespmem:v7+s2+$0x0], $0xffff  }
0x55: {  	v9 =	vld.idx.msk [tilespmem:v9+s2+$0x0], $0xffff  }
0x56: {  	v11 =	vld.idx.msk [tilespmem:v11+s2+$0x0], $0xffff  }
0x57: {  	v13 =	vld.idx.msk [tilespmem:v13+s2+$0x0], $0xffff  }
0x58: {  	v15 =	vld.idx.msk [tilespmem:v15+s2+$0x0], $0xffff  }
0x59: {  	v17 =	vld.idx.msk [tilespmem:v17+s2+$0x0], $0xffff  }
0x5a: {  	v19 =	vld.idx.msk [tilespmem:v19+s2+$0x0], $0xffff  }
0x5b: {  	v21 =	vld.idx.msk [tilespmem:v21+s2+$0x0], $0xffff  }
0x5c: {  	v23 =	vld.idx.msk [tilespmem:v23+s2+$0x0], $0xffff  }
0x5d: {  	v25 =	vld.idx.msk [tilespmem:v25+s2+$0x0], $0xffff;
	v0 =	vmul.f32 v4, v0  }
0x5e: {  	v27 =	vld.idx.msk [tilespmem:v27+s2+$0x0], $0xffff  }
0x5f: {  	v29 =	vld.idx.msk [tilespmem:v29+s2+$0x0], $0xffff;
	v1 =	vmul.f32 v6, v1;
	v0 =	vadd.f32 $0.0e+00, v0  }
0x60: {  	v31 =	vld.idx.msk [tilespmem:v31+s2+$0x0], $0xffff  }
0x61: {  	v33 =	vld.idx.msk [tilespmem:v33+s2+$0x0], $0xffff;
	v54 =	vmul.f32 v8, v2;
	v0 =	vadd.f32 v1, v0  }
0x62: {  	v35 =	vld.idx.msk [tilespmem:v35+s2+$0x0], $0xffff  }
0x63: {  	v37 =	vld.idx.msk [tilespmem:v37+s2+$0x0], $0xffff;
	v55 =	vmul.f32 v10, v3;
	v0 =	vadd.f32 v54, v0  }
0x64: {  	v39 =	vld.idx.msk [tilespmem:v39+s2+$0x0], $0xffff  }
0x65: {  	v41 =	vld.idx.msk [tilespmem:v41+s2+$0x0], $0xffff;
	v57 =	vmul.f32 v12, v5;
	v0 =	vadd.f32 v55, v0  }
0x66: {  	v6 =	vld.idx.msk [tilespmem:v43+s2+$0x0], $0xffff  }
0x67: {  	v2 =	vld [tilespmem:$0x8170];
	v59 =	vmul.f32 v14, v7;
	v0 =	vadd.f32 v57, v0  }
0x68: {  	v8 =	vld.idx.msk [tilespmem:v45+s2+$0x0], $0xffff  }
0x69: {  	v10 =	vld [tilespmem:$0x8180];
	v60 =	vmul.f32 v16, v9;
	v0 =	vadd.f32 v59, v0  }
0x6a: {  	v4 =	vld.idx.msk [tilespmem:v52+s2+$0x0], $0xffff  }
0x6b: {  	v7 =	vld [tilespmem:$0x8190];
	v62 =	vmul.f32 v18, v11;
	v0 =	vadd.f32 v60, v0  }
0x6c: {  	v12 =	vld.idx.msk [tilespmem:v53+s2+$0x0], $0xffff  }
0x6d: {  	v14 =	vld [tilespmem:$0x81A0];
	v20 =	vmul.f32 v20, v13;
	v0 =	vadd.f32 v62, v0  }
0x6e: {  	v3 =	vld.idx.msk [tilespmem:v56+s2+$0x0], $0xffff  }
0x6f: {  	v13 =	vld [tilespmem:$0x81B0];
	v22 =	vmul.f32 v22, v15;
	v0 =	vadd.f32 v20, v0  }
0x70: {  	v5 =	vld.idx.msk [tilespmem:v58+s2+$0x0], $0xffff  }
0x71: {  	v43 =	vld [tilespmem:$0x85F0];
	v45 =	vmul.f32 v24, v17;
	v0 =	vadd.f32 v22, v0  }
0x72: {  	v16 =	vld [tilespmem:$0x81C0]  }
0x73: {  	v9 =	vld.idx.msk [tilespmem:v61+s2+$0x0], $0xffff;
	v49 =	vmul.f32 v26, v19;
	v0 =	vadd.f32 v45, v0  }
0x74: {  	v18 =	vld [tilespmem:$0x81D0]  }
0x75: {  	v11 =	vld.idx.msk [tilespmem:v63+s2+$0x0], $0xffff;
	v50 =	vmul.f32 v28, v21;
	v0 =	vadd.f32 v49, v0  }
0x76: {  	v53 =	vld [tilespmem:$0x8620]  }
0x77: {  	v52 =	vmul.f32 v30, v23;
	v17 =	vld.idx.msk [tilespmem:v48+s2+$0x0], $0xffff;
	v0 =	vadd.f32 v50, v0  }
0x78: {  	v56 =	vld [tilespmem:$0x8630]  }
0x79: {  	v24 =	vld [tilespmem:$0x8200];
	v54 =	vmul.f32 v32, v25;
	v0 =	vadd.f32 v52, v0  }
0x7a: {  	v19 =	vld.idx.msk [tilespmem:v51+s2+$0x0], $0xffff  }
0x7b: {  	v58 =	vld [tilespmem:$0x8640];
	v55 =	vmul.f32 v34, v27;
	v0 =	vadd.f32 v54, v0  }
0x7c: {  	v26 =	vld [tilespmem:$0x8210]  }
0x7d: {  	v61 =	vld [tilespmem:$0x8650];
	v57 =	vmul.f32 v36, v29;
	v0 =	vadd.f32 v55, v0  }
0x7e: {  	v28 =	vld [tilespmem:$0x8220]  }
0x7f: {  	v63 =	vld [tilespmem:$0x8660];
	v59 =	vmul.f32 v38, v31;
	v0 =	vadd.f32 v57, v0  }
0x80: {  	v30 =	vld [tilespmem:$0x8230]  }
0x81: {  	v32 =	vld [tilespmem:$0x87A0];
	v60 =	vmul.f32 v40, v33;
	v0 =	vadd.f32 v59, v0  }
0x82: {  	v15 =	vld.idx.msk [tilespmem:v43+s2+$0x0], $0xffff  }
0x83: {  	v21 =	vld.idx.msk [tilespmem:v53+s2+$0x0], $0xffff;
	v62 =	vmul.f32 v42, v35;
	v0 =	vadd.f32 v60, v0  }
0x84: {  	v23 =	vld.idx.msk [tilespmem:v56+s2+$0x0], $0xffff  }
0x85: {  	v25 =	vld.idx.msk [tilespmem:v58+s2+$0x0], $0xffff;
	v35 =	vmul.f32 v44, v37;
	v0 =	vadd.f32 v62, v0  }
0x86: {  	v27 =	vld.idx.msk [tilespmem:v61+s2+$0x0], $0xffff  }
0x87: {  	v53 =	vld [tilespmem:$0x8280];
	v36 =	vmul.f32 v46, v39;
	v0 =	vadd.f32 v35, v0  }
0x88: {  	v56 =	vld [tilespmem:$0x86C0]  }
0x89: {  	v58 =	vld [tilespmem:$0x8290];
	v39 =	vmul.f32 v47, v41;
	v0 =	vadd.f32 v36, v0  }
0x8a: {  	v61 =	vld [tilespmem:$0x82A0]  }
0x8b: {  	v41 =	vmul.f32 v2, v6;
	v6 =	vld.idx.msk [tilespmem:v63+s2+$0x0], $0xffff;
	v0 =	vadd.f32 v39, v0  }
0x8c: {  	v47 =	vld [tilespmem:$0x86A0]  }
0x8d: {  	v43 =	vmul.f32 v10, v8;
	v63 =	vld [tilespmem:$0x86E0];
	v0 =	vadd.f32 v41, v0  }
0x8e: {  	v29 =	vmul.f32 v26, v19;
	v26 =	vld [tilespmem:$0x8350]  }
0x8f: {  	v46 =	vmul.f32 v7, v4;
	v38 =	vld [tilespmem:$0x8240];
	v0 =	vadd.f32 v43, v0  }
0x90: {  	v31 =	vld [tilespmem:$0x86F0]  }
0x91: {  	v48 =	vmul.f32 v14, v12;
	v34 =	vmul.f32 v28, v21;
	v21 =	vld [tilespmem:$0x8770];
	v0 =	vadd.f32 v46, v0  }
0x92: {  	v28 =	vld [tilespmem:$0x8790]  }
0x93: {  	v51 =	vmul.f32 v13, v3;
	v40 =	vld [tilespmem:$0x8680];
	v0 =	vadd.f32 v48, v0  }
0x94: {  	v20 =	vld [tilespmem:$0x81E0]  }
0x95: {  	v37 =	vld [tilespmem:$0x8670];
	v54 =	vmul.f32 v16, v5;
	v0 =	vadd.f32 v51, v0  }
0x96: {  	v22 =	vld [tilespmem:$0x81F0]  }
0x97: {  	v33 =	vld [tilespmem:$0x82C0];
	v57 =	vmul.f32 v18, v9;
	v0 =	vadd.f32 v54, v0  }
0x98: {  	v7 =	vld.idx.msk [tilespmem:v47+s2+$0x0], $0xffff  }
0x99: {  	v42 =	vld [tilespmem:$0x8250];
	v59 =	vmul.f32 v20, v11;
	v0 =	vadd.f32 v57, v0  }
0x9a: {  	v44 =	vld [tilespmem:$0x8690]  }
0x9b: {  	v8 =	vld.idx.msk [tilespmem:v56+s2+$0x0], $0xffff;
	v62 =	vmul.f32 v22, v15;
	v0 =	vadd.f32 v59, v0  }
0x9c: {  	v45 =	vld [tilespmem:$0x8260]  }
0x9d: {  	v56 =	vmul.f32 v61, v7;
	v61 =	vld [tilespmem:$0x8760];
	v22 =	vmul.f32 v24, v17;
	v0 =	vadd.f32 v62, v0  }
0x9e: {  	v4 =	vld.idx.msk [tilespmem:v37+s2+$0x0], $0xffff  }
0x9f: {  	v49 =	vld [tilespmem:$0x8270];
	v0 =	vadd.f32 v22, v0  }
0xa0: {  	v37 =	vld [tilespmem:$0x82D0]  }
0xa1: {  	v52 =	vld [tilespmem:$0x86B0];
	v0 =	vadd.f32 v29, v0  }
0xa2: {  	v50 =	vld.idx.msk [tilespmem:v40+s2+$0x0], $0xffff  }
0xa3: {  	v40 =	vld [tilespmem:$0x82E0];
	v36 =	vmul.f32 v30, v23;
	v0 =	vadd.f32 v34, v0  }
0xa4: {  	v47 =	vmul.f32 v49, v4;
	v49 =	vld [tilespmem:$0x8300]  }
0xa5: {  	v38 =	vmul.f32 v38, v25;
	v4 =	vld.idx.msk [tilespmem:v61+s2+$0x0], $0xffff;
	v0 =	vadd.f32 v36, v0  }
0xa6: {  	v55 =	vld.idx.msk [tilespmem:v44+s2+$0x0], $0xffff  }
0xa7: {  	v44 =	vmul.f32 v45, v6;
	v45 =	vld [tilespmem:$0x82F0];
	v41 =	vmul.f32 v42, v27;
	v0 =	vadd.f32 v38, v0  }
0xa8: {  	v6 =	vld.idx.msk [tilespmem:v28+s2+$0x0], $0xffff  }
0xa9: {  	v3 =	vld.idx.msk [tilespmem:v52+s2+$0x0], $0xffff;
	v0 =	vadd.f32 v41, v0  }
0xaa: {  	v60 =	vld [tilespmem:$0x86D0]  }
0xab: {  	v52 =	vld [tilespmem:$0x8740];
	v0 =	vadd.f32 v44, v0  }
0xac: {  	v50 =	vmul.f32 v53, v50;
	v53 =	vmul.f32 v58, v55;
	v58 =	vld [tilespmem:$0x8320]  }
0xad: {  	v24 =	vld [tilespmem:$0x82B0];
	v0 =	vadd.f32 v47, v0  }
0xae: {  	v15 =	vld.idx.msk [tilespmem:v63+s2+$0x0], $0xffff  }
0xaf: {  	v35 =	vld [tilespmem:$0x8700];
	v0 =	vadd.f32 v50, v0  }
0xb0: {  	v39 =	vld [tilespmem:$0x8710]  }
0xb1: {  	v63 =	vld [tilespmem:$0x8330];
	v0 =	vadd.f32 v53, v0  }
0xb2: {  	v11 =	vld.idx.msk [tilespmem:v60+s2+$0x0], $0xffff  }
0xb3: {  	v14 =	vld.idx.msk [tilespmem:v52+s2+$0x0], $0xffff;
	v59 =	vmul.f32 v24, v3;
	v0 =	vadd.f32 v56, v0  }
0xb4: {  	v43 =	vld [tilespmem:$0x8720]  }
0xb5: {  	v42 =	vld.idx.msk [tilespmem:v31+s2+$0x0], $0xffff;
	v62 =	vmul.f32 v33, v8;
	v0 =	vadd.f32 v59, v0  }
0xb6: {  	v48 =	vld [tilespmem:$0x8730]  }
0xb7: {  	v20 =	vmul.f32 v37, v11;
	v46 =	vld.idx.msk [tilespmem:v35+s2+$0x0], $0xffff;
	v0 =	vadd.f32 v62, v0  }
0xb8: {  	v51 =	vld.idx.msk [tilespmem:v39+s2+$0x0], $0xffff  }
0xb9: {  	v23 =	vmul.f32 v40, v15;
	v54 =	vld [tilespmem:$0x8310];
	v0 =	vadd.f32 v20, v0  }
0xba: {  	v57 =	vld [tilespmem:$0x8750]  }
0xbb: {  	v40 =	vld [tilespmem:$0x8390];
	v25 =	vmul.f32 v45, v42;
	v0 =	vadd.f32 v23, v0  }
0xbc: {  	v55 =	vld.idx.msk [tilespmem:v43+s2+$0x0], $0xffff  }
0xbd: {  	v31 =	vld.idx.msk [tilespmem:v21+s2+$0x0], $0xffff;
	v27 =	vmul.f32 v49, v46;
	v0 =	vadd.f32 v25, v0  }
0xbe: {  	v60 =	vld.idx.msk [tilespmem:v48+s2+$0x0], $0xffff  }
0xbf: {  	v24 =	vld [tilespmem:$0x8780];
	v30 =	vmul.f32 v54, v51;
	v0 =	vadd.f32 v27, v0  }
0xc0: {  	v22 =	vld [tilespmem:$0x8340]  }
0xc1: {  	v37 =	vld [tilespmem:$0x8380];
	v33 =	vmul.f32 v58, v55;
	v0 =	vadd.f32 v30, v0  }
0xc2: {  	v7 =	vld.idx.msk [tilespmem:v57+s2+$0x0], $0xffff  }
0xc3: {  	v42 =	vld [tilespmem:$0x87C0];
	v36 =	vmul.f32 v63, v60;
	v0 =	vadd.f32 v33, v0  }
0xc4: {  	v29 =	vld [tilespmem:$0x8360]  }
0xc5: {  	v39 =	vmul.f32 v22, v14;
	v38 =	vld [tilespmem:$0x87B0];
	v0 =	vadd.f32 v36, v0  }
0xc6: {  	v34 =	vld [tilespmem:$0x8370]  }
0xc7: {  	v45 =	vld [tilespmem:$0x87D0];
	v41 =	vmul.f32 v26, v7;
	v0 =	vadd.f32 v39, v0  }
0xc8: {  	v35 =	vld.idx.msk [tilespmem:v24+s2+$0x0], $0xffff  }
0xc9: {  	v46 =	vld [tilespmem:$0x83A0];
	v44 =	vmul.f32 v29, v4;
	v0 =	vadd.f32 v41, v0  }
0xca: {  	v43 =	vld.idx.msk [tilespmem:v32+s2+$0x0], $0xffff  }
0xcb: {  	v48 =	vld [tilespmem:$0x87E0];
	v47 =	vmul.f32 v34, v31;
	v0 =	vadd.f32 v44, v0  }
0xcc: {  	v51 =	vld [tilespmem:$0x83B0]  }
0xcd: {  	v49 =	vmul.f32 v37, v35;
	v8 =	vld.idx.msk [tilespmem:v38+s2+$0x0], $0xffff;
	v0 =	vadd.f32 v47, v0  }
0xce: {  	v50 =	vld [tilespmem:$0x87F0]  }
0xcf: {  	v52 =	vmul.f32 v40, v6;
	v2 =	vld.idx.msk [tilespmem:v42+s2+$0x0], $0xffff;
	v0 =	vadd.f32 v49, v0  }
0xd0: {  	v53 =	vld [tilespmem:$0x83C0]  }
0xd1: {  	v54 =	vmul.f32 v46, v43;
	v55 =	vld [tilespmem:$0x83D0];
	v0 =	vadd.f32 v52, v0  }
0xd2: {  	v4 =	vld.idx.msk [tilespmem:v45+s2+$0x0], $0xffff  }
0xd3: {  	v57 =	vld [tilespmem:$0x83E0];
	v56 =	vmul.f32 v51, v8;
	v0 =	vadd.f32 v54, v0  }
0xd4: {  	v5 =	vld.idx.msk [tilespmem:v48+s2+$0x0], $0xffff  }
0xd5: {  	v60 =	vld [tilespmem:$0x83F0];
	v58 =	vmul.f32 v53, v2;
	v0 =	vadd.f32 v56, v0  }
0xd6: {  	v59 =	vld.idx.msk [tilespmem:v50+s2+$0x0], $0xffff  }
0xd7: {  	v61 =	vmul.f32 v55, v4;
	v0 =	vadd.f32 v58, v0;
	_ =	sdelay $0x1  }
0xd8: {  	v62 =	vmul.f32 v57, v5;
	v0 =	vadd.f32 v61, v0;
	_ =	sdelay $0x1  }
0xd9: {  	v63 =	vmul.f32 v60, v59;
	v0 =	vadd.f32 v62, v0;
	_ =	sdelay $0x1  }
0xda: {  	v0 =	vadd.f32 v63, v0  }
0xdb: {  	p0 =	sne.s32 s7, $0x1  }
.Ltmp0:
0xdc: {  	[tilespmem:$0x8800] =	vst v0;
	(pc) =	sbr.rel @p0 .LBB2_1-.Ltmp0, $4  }
0xdd: {  	[hbm4b:s6+s2] =	stream.linear.scatter [tilespmem:s11], [sflag:$0x1], $0x80, $0x38;
	[tilespmem:$0x8880] =	vst v63  }
0xde: {  	_ =	swait.ge [sflag:s8], $0x80  }
0xdf: {  	[sflag:s8] =	ssyncset.done $0x0  }
0xe0: {  	s7 =	sadd.s32 $0xFFFFFFFF, s7;
	[sflag:s8] =	ssyncadd.s32 $0xFFFFFF80  }
0xe1: {  	_ =	sfence.sel $0x180000  }
0xe2: {  	[bflag:$0x0] =	sbarrier.arrive $0xFFFF  }
0xe3: {  	p0 =	sne.s32 s1, $0x0;
	_ =	strace $0x90000047  }
0xe4: {  	s0 =	sadd.s32 @!p0 $0x100000, s0;
	[bflag:$0x2] =	sbarrier.arrive $0xFFFF  }
0xe5: {  	[sflag:s0] =	ssyncadd.tile.s32 @!p0 $0x1;
	_ =	shalt  }
.Lfunc_end2:
_tile_overlayer_lowered:
.L_overlay_start_2:
0xe6: {  	(tag) =	ssettag $0x2  }
0xe7: {  	s0 =	rddreg [dreg:$0x0];
	s2 =	stileid.u32  }
0xe8: {  	s1 =	rddreg [dreg:$0x1];
	p0 =	sne.s32 s2, $0x0  }
0xe9: {  	s3 =	rddreg [dreg:$0x2];
	[bflag:$0x3] =	sbarrier.arrive $0xFFFF;
	s2 =	simm.s32 @!p0 $0x1C01  }
0xea: {  	[timem:s3], [sflag:s2] =	dma.local @!p0 [hbm:s0], s1  }
0xeb: {  	s0 =	simm.s32 @!p0 $0x1  }
0xec: {  	_ =	swait.ge @!p0 [sflag:s0], s1  }
0xed: {  	s1 =	ssub.s32 @!p0 $0x0, s1;
	[sflag:s0] =	ssyncset.done @!p0 $0x0  }
0xee: {  	[sflag:s0] =	ssyncadd.s32 @!p0 s1  }
0xef: {  	[bflag:$0x3] =	sbarrier.arrive $0xFFFF  }
0xf0: {  	_ =	shalt  }

</sc_bundles>
